<compile_context>
chip_gen: v7x
topology: tpu7x:2x2x1
jax: 0.10.2.dev20260603
libtpu: 0.0.44.dev20260713+nightly
codegen_flags: <defaults>
</compile_context>

<pallas_src>
import functools

import jax
import jax.numpy as jnp
from jax import lax
from jax.experimental import pallas as pl
from jax.experimental.pallas import tpu as pltpu
from jax.experimental.pallas import tpu_sc as plsc

_R = 2048
_BINS = 1024
_NCLU = 1000
_DUMP = 1016
_TILES = 16
_L = 16
_SLC = 128
_MTILES = _BINS // _SLC


def _sc_body(y_hbm, winv_hbm, y_v, cnt_v, winv_v, red_v, slc_v,
             shared_all, shared_glob):
    cid = lax.axis_index("c")
    sid = lax.axis_index("s")
    n = y_hbm.shape[0]
    per = n // _TILES

    @pl.when(cid == 0)
    def _():
        base = sid * per
        pltpu.sync_copy(y_hbm.at[pl.ds(base, per)], y_v)

        def zb(b, _):
            cnt_v[pl.ds(b * _L, _L)] = jnp.zeros((_L,), jnp.float32)
            return _
        lax.fori_loop(0, _BINS // _L, zb, 0)

        ones16 = jnp.ones((_L,), jnp.float32)

        def hist(j, _):
            yv = y_v[pl.ds(j * _L, _L)]
            msk = yv >= 0
            safe = jnp.where(msk, yv, _DUMP)
            plsc.addupdate_scatter(cnt_v, [safe], ones16, mask=msk)
            return _
        lax.fori_loop(0, per // _L, hist, 0)
        pltpu.sync_copy(cnt_v, shared_all.at[sid])
        plsc.subcore_barrier()

        @pl.when(sid < _MTILES)
        def _():
            pltpu.sync_copy(shared_all.at[:, pl.ds(sid * _SLC, _SLC)], red_v)
            for b in range(_SLC // _L):
                acc = red_v[0, pl.ds(b * _L, _L)]
                for r in range(1, _TILES):
                    acc = acc + red_v[r, pl.ds(b * _L, _L)]
                slc_v[pl.ds(b * _L, _L)] = acc
            pltpu.sync_copy(slc_v, shared_glob.at[pl.ds(sid * _SLC, _SLC)])
        plsc.subcore_barrier()
        pltpu.sync_copy(shared_glob, cnt_v)

        def kloop(b, acc):
            cnt = cnt_v[pl.ds(b * _L, _L)]
            binid = lax.iota(jnp.int32, _L) + b * _L
            live = (cnt > 0.0) & (binid < _NCLU)
            return acc + jnp.where(live, 1.0, 0.0)
        kacc = lax.fori_loop(0, _BINS // _L, kloop,
                             jnp.zeros((_L,), jnp.float32))
        ktot = jnp.full((_L,), jnp.sum(kacc), dtype=jnp.float32)
        kinv = jnp.where(ktot > 0.0, 1.0 / ktot, 0.0)

        def wloop(j, _):
            yv = y_v[pl.ds(j * _L, _L)]
            msk = yv >= 0
            safe = jnp.where(msk, yv, 0)
            cnt = plsc.load_gather(cnt_v, [safe])
            wv = jnp.where(msk, kinv / cnt, 0.0)
            winv_v[pl.ds(j * _L, _L)] = wv
            return _
        lax.fori_loop(0, per // _L, wloop, 0)
        pltpu.sync_copy(winv_v, winv_hbm.at[pl.ds(base, per)])


def _sc_weights(pseudo_label):
    n = pseudo_label.shape[0]
    mesh = plsc.VectorSubcoreMesh(core_axis_name="c", subcore_axis_name="s")
    fn = functools.partial(
        pl.kernel,
        mesh=mesh,
        compiler_params=pltpu.CompilerParams(needs_layout_passes=False),
        out_type=jax.ShapeDtypeStruct((n,), jnp.float32),
        scratch_types=[
            pltpu.VMEM((n // _TILES,), jnp.int32),
            pltpu.VMEM((_BINS,), jnp.float32),
            pltpu.VMEM((n // _TILES,), jnp.float32),
            pltpu.VMEM((_TILES, _SLC), jnp.float32),
            pltpu.VMEM((_SLC,), jnp.float32),
            pltpu.VMEM_SHARED((_TILES, _BINS), jnp.float32),
            pltpu.VMEM_SHARED((_BINS,), jnp.float32),
        ],
    )(_sc_body)
    return fn(pseudo_label)


def _tc_body(c_ref, y_ref, w_ref, out_ref):
    i = pl.program_id(0)
    x = c_ref[...]
    r, cnum = x.shape
    m = jnp.max(x, axis=1, keepdims=True)
    se = jnp.sum(jnp.exp(x - m), axis=1, keepdims=True)
    lse = jnp.log(se) + m
    y = y_ref[...]
    col = lax.broadcasted_iota(jnp.int32, (r, cnum), 1)
    oh = col == y
    picked = jnp.sum(jnp.where(oh, x, 0.0), axis=1, keepdims=True)
    nll = lse - picked
    part = jnp.sum(w_ref[...] * nll)

    @pl.when(i == 0)
    def _():
        out_ref[...] = jnp.zeros_like(out_ref)

    out_ref[...] += jnp.full((1, 1), part, dtype=jnp.float32)


def kernel(c, pseudo_label):
    n, cnum = c.shape
    y2d = pseudo_label.reshape(n, 1).astype(jnp.int32)
    winv = _sc_weights(pseudo_label.astype(jnp.int32))
    winv2d = winv.reshape(n, 1)
    out = pl.pallas_call(
        _tc_body,
        grid=(n // _R,),
        compiler_params=pltpu.CompilerParams(
            allow_input_fusion=[True, False, False]),
        in_specs=[
            pl.BlockSpec((_R, cnum), lambda i: (i, 0)),
            pl.BlockSpec((_R, 1), lambda i: (i, 0)),
            pl.BlockSpec((_R, 1), lambda i: (i, 0)),
        ],
        out_specs=pl.BlockSpec((1, 1), lambda i: (0, 0)),
        out_shape=jax.ShapeDtypeStruct((1, 1), jnp.float32),
    )(c, y2d, winv2d)
    return out[0, 0]

# --- scband reference (transcript-rebuilt; emitter-appended) ---
"""Pipeline reference for scband-cluster-loss-boost-83124797047545 (READ-ONLY COPY).

The authoritative reference and input builder live on the scoring server;
editing this copy changes nothing except your own understanding.
"""

import jax, jax.numpy as jnp
import numpy as np

CLUSTER_NUM = 1000
N = 16384


def setup_inputs(seed: int = 0) -> dict:
    key = jax.random.key(seed)
    k1, k2 = jax.random.split(key)
    c = jax.random.normal(k1, (N, CLUSTER_NUM), dtype=jnp.float32)
    pseudo_label = jax.random.randint(k2, (N,), 0, CLUSTER_NUM, dtype=jnp.int32)
    return {"c": c, "pseudo_label": pseudo_label}


def reference(c, pseudo_label):
    cluster_num = CLUSTER_NUM
    n = pseudo_label.shape[0]
    pseudo_index = pseudo_label != -1
    # fixed-shape equivalent of torch.unique(..., return_counts=True) followed by
    # weight[idx] = n / counts: per-cluster counts over a static number of bins
    counts = jax.ops.segment_sum(
        jnp.ones((n,), dtype=jnp.float32), pseudo_label, num_segments=cluster_num
    )
    weight = jnp.where(counts > 0, n / counts, jnp.float32(1.0))
    # weighted CrossEntropyLoss with reduction='mean':
    # sum_i w[y_i] * nll_i / sum_i w[y_i], with masked-out rows given zero weight
    logp = jax.nn.log_softmax(c, axis=-1)
    nll = -jnp.take_along_axis(logp, pseudo_label[:, None].astype(jnp.int32), axis=1)[:, 0]
    w = jnp.take(weight, pseudo_label, axis=0) * pseudo_index.astype(jnp.float32)
    denom = jnp.sum(w)
    safe_denom = jnp.where(denom > 0, denom, jnp.float32(1.0))
    loss_ce = jnp.where(
        jnp.sum(pseudo_index) > 0,
        jnp.sum(w * nll) / safe_denom,
        jnp.asarray(0.0, dtype=jnp.float32),
    )
    return loss_ce

if __name__ == "__main__":
    import jax
    _d = setup_inputs()
    print(jax.jit(kernel)(*tuple(_d.values())))

</pallas_src>

<mosaic_0001>
#map = affine_map<(d0, d1) -> (0)>
module attributes {stable_mosaic.version = 14 : i64} {
  func.func @_sc_body(%arg0: i32, %arg1: i32, %arg2: memref<16384xi32, #tpu.memory_space<hbm>>, %arg3: memref<16384xf32, #tpu.memory_space<hbm>>, %arg4: memref<1024xi32, #tpu.memory_space<vmem>>, %arg5: memref<1024xf32, #tpu.memory_space<vmem>>, %arg6: memref<1024xf32, #tpu.memory_space<vmem>>, %arg7: memref<16x128xf32, #tpu.memory_space<vmem>>, %arg8: memref<128xf32, #tpu.memory_space<vmem>>, %arg9: memref<16x1024xf32, #tpu.memory_space<vmem_shared>>, %arg10: memref<1024xf32, #tpu.memory_space<vmem_shared>>) attributes {dimension_semantics = [#tpu.dimension_semantics<core_parallel>, #tpu.dimension_semantics<subcore_parallel>], iteration_bounds = array<i64: 2, 16>, scalar_prefetch = 0 : i64, scratch_operands = 7 : i64, tpu.core_type = #tpu.core_type<sc_vector_subcore>, window_params = [{transform_indices = #map}, {transform_indices = #map}]} {
    %eq3A = arith.constant 0 : i32
    %eq3A_0 = arith.cmpi eq, %arg0, %eq3A : i32
    %convert_element_type3A = arith.extui %eq3A_0 : i1 to i32
    %cond3A = arith.constant 0 : i32
    %cond3A_1 = arith.cmpi ne, %convert_element_type3A, %cond3A : i32
    scf.if %cond3A_1 {
      %mul3A = arith.constant 1024 : i32
      %mul3A_2 = arith.muli %arg1, %mul3A : i32
      "tpu.region"() ({
        %run_scoped3A = tpu.sem_alloc : memref<!tpu.dma_semaphore, #tpu.memory_space<semaphore_mem>>
        %dma_start3A = tpu.memref_slice %arg2[%mul3A_2] : memref<16384xi32, #tpu.memory_space<hbm>> -> memref<1024xi32, #tpu.memory_space<hbm>>
        %dma_start3A_43 = tpu.memref_slice %arg2[%mul3A_2] : memref<16384xi32, #tpu.memory_space<hbm>> -> memref<1024xi32, #tpu.memory_space<hbm>>
        tpu.enqueue_dma source(%dma_start3A_43 : memref<1024xi32, #tpu.memory_space<hbm>>) target(%arg4 : memref<1024xi32, #tpu.memory_space<vmem>>) target_semaphore(%run_scoped3A : memref<!tpu.dma_semaphore, #tpu.memory_space<semaphore_mem>>)
        %dma_wait3A = tpu.memref_slice %arg2[%mul3A_2] : memref<16384xi32, #tpu.memory_space<hbm>> -> memref<1024xi32, #tpu.memory_space<hbm>>
        %dma_wait3A_44 = tpu.memref_slice %arg2[%mul3A_2] : memref<16384xi32, #tpu.memory_space<hbm>> -> memref<1024xi32, #tpu.memory_space<hbm>>
        tpu.wait_dma2 semaphore(%run_scoped3A : memref<!tpu.dma_semaphore, #tpu.memory_space<semaphore_mem>>) src(%dma_wait3A_44 : memref<1024xi32, #tpu.memory_space<hbm>>) dst(%arg4 : memref<1024xi32, #tpu.memory_space<vmem>>)
        tpu.yield
      }) : () -> ()
      %scan3A = arith.constant 0 : i32
      %scan3A_3 = arith.constant 0 : i32
      %scan3A_4 = arith.constant 64 : i32
      %scan3A_5 = arith.addi %scan3A_3, %scan3A_4 : i32
      %scan3A_6 = arith.constant 1 : i32
      scf.for %scan3A_43 = %scan3A_3 to %scan3A_5 step %scan3A_6  : i32 {
        %broadcast_in_dim3A_44 = arith.constant 0.000000e+00 : f32
        %broadcast_in_dim3A_45 = vector.broadcast %broadcast_in_dim3A_44 : f32 to vector<16xf32>
        %mul3A_46 = arith.constant 16 : i32
        %mul3A_47 = arith.muli %scan3A_43, %mul3A_46 : i32
        %swap3A = arith.index_cast %mul3A_47 : i32 to index
        %swap3A_48 = tpu.vector_load %arg5[%swap3A] {strides = array<i32>} : memref<1024xf32, #tpu.memory_space<vmem>>, vector<16xf32>,
        tpu.vector_store %arg5[%swap3A], %broadcast_in_dim3A_45 {strides = array<i32>} : memref<1024xf32, #tpu.memory_space<vmem>>, vector<16xf32>,
      }
      %scan3A_7 = arith.constant 64 : i32
      %broadcast_in_dim3A = arith.constant 1.000000e+00 : f32
      %broadcast_in_dim3A_8 = vector.broadcast %broadcast_in_dim3A : f32 to vector<16xf32>
      %scan3A_9 = arith.constant 0 : i32
      %scan3A_10 = arith.constant 0 : i32
      %scan3A_11 = arith.constant 64 : i32
      %scan3A_12 = arith.addi %scan3A_10, %scan3A_11 : i32
      %scan3A_13 = arith.constant 1 : i32
      scf.for %scan3A_43 = %scan3A_10 to %scan3A_12 step %scan3A_13  : i32 {
        %mul3A_44 = arith.constant 16 : i32
        %mul3A_45 = arith.muli %scan3A_43, %mul3A_44 : i32
        %get3A = arith.index_cast %mul3A_45 : i32 to index
        %get3A_46 = tpu.vector_load %arg4[%get3A] {strides = array<i32>} : memref<1024xi32, #tpu.memory_space<vmem>>, vector<16xi32>,
        %ge3A = arith.constant 0 : i32
        %ge3A_47 = vector.broadcast %ge3A : i32 to vector<16xi32>
        %ge3A_48 = arith.cmpi sge, %get3A_46, %ge3A_47 : vector<16xi32>
        %jit3A_49 = arith.constant 1016 : i32
        %broadcast_in_dim3A_50 = vector.broadcast %jit3A_49 : i32 to vector<16xi32>
        %select_n3A_51 = arith.select %ge3A_48, %get3A_46, %broadcast_in_dim3A_50 : vector<16xi1>, vector<16xi32>
        tpu.vector_store_idx %arg5[%select_n3A_51], %broadcast_in_dim3A_8 masked %ge3A_48 {add = true} : memref<1024xf32, #tpu.memory_space<vmem>>[vector<16xi32>], vector<16xf32>, vector<16xi1>
      }
      %scan3A_14 = arith.constant 64 : i32
      "tpu.region"() ({
        %run_scoped3A = tpu.sem_alloc : memref<!tpu.dma_semaphore, #tpu.memory_space<semaphore_mem>>
        %dma_start3A = arith.constant 0 : i32
        %dma_start3A_43 = tpu.memref_slice %arg9[%arg1, %dma_start3A] : memref<16x1024xf32, #tpu.memory_space<vmem_shared>> -> memref<1x1024xf32, #tpu.memory_space<vmem_shared>>
        %dma_start3A_44 = tpu.memref_squeeze %dma_start3A_43 : memref<1x1024xf32, #tpu.memory_space<vmem_shared>> -> memref<1024xf32, #tpu.memory_space<vmem_shared>>
        %dma_start3A_45 = arith.constant 0 : i32
        %dma_start3A_46 = tpu.memref_slice %arg9[%arg1, %dma_start3A_45] : memref<16x1024xf32, #tpu.memory_space<vmem_shared>> -> memref<1x1024xf32, #tpu.memory_space<vmem_shared>>
        %dma_start3A_47 = tpu.memref_squeeze %dma_start3A_46 : memref<1x1024xf32, #tpu.memory_space<vmem_shared>> -> memref<1024xf32, #tpu.memory_space<vmem_shared>>
        tpu.enqueue_dma source(%arg5 : memref<1024xf32, #tpu.memory_space<vmem>>) target(%dma_start3A_47 : memref<1024xf32, #tpu.memory_space<vmem_shared>>) target_semaphore(%run_scoped3A : memref<!tpu.dma_semaphore, #tpu.memory_space<semaphore_mem>>)
        %dma_wait3A = arith.constant 0 : i32
        %dma_wait3A_48 = tpu.memref_slice %arg9[%arg1, %dma_wait3A] : memref<16x1024xf32, #tpu.memory_space<vmem_shared>> -> memref<1x1024xf32, #tpu.memory_space<vmem_shared>>
        %dma_wait3A_49 = tpu.memref_squeeze %dma_wait3A_48 : memref<1x1024xf32, #tpu.memory_space<vmem_shared>> -> memref<1024xf32, #tpu.memory_space<vmem_shared>>
        %dma_wait3A_50 = arith.constant 0 : i32
        %dma_wait3A_51 = tpu.memref_slice %arg9[%arg1, %dma_wait3A_50] : memref<16x1024xf32, #tpu.memory_space<vmem_shared>> -> memref<1x1024xf32, #tpu.memory_space<vmem_shared>>
        %dma_wait3A_52 = tpu.memref_squeeze %dma_wait3A_51 : memref<1x1024xf32, #tpu.memory_space<vmem_shared>> -> memref<1024xf32, #tpu.memory_space<vmem_shared>>
        tpu.wait_dma2 semaphore(%run_scoped3A : memref<!tpu.dma_semaphore, #tpu.memory_space<semaphore_mem>>) src(%arg5 : memref<1024xf32, #tpu.memory_space<vmem>>) dst(%dma_wait3A_52 : memref<1024xf32, #tpu.memory_space<vmem_shared>>)
        tpu.yield
      }) : () -> ()
      %barrier3A = arith.constant 0 : index
      tpu.barrier barrier_id(%barrier3A)
      %lt3A = arith.constant 8 : i32
      %lt3A_15 = arith.cmpi slt, %arg1, %lt3A : i32
      %convert_element_type3A_16 = arith.extui %lt3A_15 : i1 to i32
      %cond3A_17 = arith.constant 0 : i32
      %cond3A_18 = arith.cmpi ne, %convert_element_type3A_16, %cond3A_17 : i32
      scf.if %cond3A_18 {
        %mul3A_43 = arith.constant 128 : i32
        %mul3A_44 = arith.muli %arg1, %mul3A_43 : i32
        "tpu.region"() ({
          %run_scoped3A = tpu.sem_alloc : memref<!tpu.dma_semaphore, #tpu.memory_space<semaphore_mem>>
          %dma_start3A = arith.constant 0 : i32
          %dma_start3A_692 = tpu.memref_slice %arg9[%dma_start3A, %mul3A_44] : memref<16x1024xf32, #tpu.memory_space<vmem_shared>> -> memref<16x128xf32, #tpu.memory_space<vmem_shared>>
          %dma_start3A_693 = arith.constant 0 : i32
          %dma_start3A_694 = tpu.memref_slice %arg9[%dma_start3A_693, %mul3A_44] : memref<16x1024xf32, #tpu.memory_space<vmem_shared>> -> memref<16x128xf32, #tpu.memory_space<vmem_shared>>
          tpu.enqueue_dma source(%dma_start3A_694 : memref<16x128xf32, #tpu.memory_space<vmem_shared>>) target(%arg7 : memref<16x128xf32, #tpu.memory_space<vmem>>) target_semaphore(%run_scoped3A : memref<!tpu.dma_semaphore, #tpu.memory_space<semaphore_mem>>)
          %dma_wait3A = arith.constant 0 : i32
          %dma_wait3A_695 = tpu.memref_slice %arg9[%dma_wait3A, %mul3A_44] : memref<16x1024xf32, #tpu.memory_space<vmem_shared>> -> memref<16x128xf32, #tpu.memory_space<vmem_shared>>
          %dma_wait3A_696 = arith.constant 0 : i32
          %dma_wait3A_697 = tpu.memref_slice %arg9[%dma_wait3A_696, %mul3A_44] : memref<16x1024xf32, #tpu.memory_space<vmem_shared>> -> memref<16x128xf32, #tpu.memory_space<vmem_shared>>
          tpu.wait_dma2 semaphore(%run_scoped3A : memref<!tpu.dma_semaphore, #tpu.memory_space<semaphore_mem>>) src(%dma_wait3A_697 : memref<16x128xf32, #tpu.memory_space<vmem_shared>>) dst(%arg7 : memref<16x128xf32, #tpu.memory_space<vmem>>)
          tpu.yield
        }) : () -> ()
        %get3A = arith.constant 0 : i32
        %get3A_45 = arith.index_cast %get3A : i32 to index
        %get3A_46 = arith.constant 0 : index
        %get3A_47 = tpu.vector_load %arg7[%get3A_45, %get3A_46] {strides = array<i32>} : memref<16x128xf32, #tpu.memory_space<vmem>>, vector<16xf32>,
        %get3A_48 = arith.constant 1 : i32
        %get3A_49 = arith.index_cast %get3A_48 : i32 to index
        %get3A_50 = arith.constant 0 : index
        %get3A_51 = tpu.vector_load %arg7[%get3A_49, %get3A_50] {strides = array<i32>} : memref<16x128xf32, #tpu.memory_space<vmem>>, vector<16xf32>,
        %add3A = arith.addf %get3A_47, %get3A_51 : vector<16xf32>
        %get3A_52 = arith.constant 2 : i32
        %get3A_53 = arith.index_cast %get3A_52 : i32 to index
        %get3A_54 = arith.constant 0 : index
        %get3A_55 = tpu.vector_load %arg7[%get3A_53, %get3A_54] {strides = array<i32>} : memref<16x128xf32, #tpu.memory_space<vmem>>, vector<16xf32>,
        %add3A_56 = arith.addf %add3A, %get3A_55 : vector<16xf32>
        %get3A_57 = arith.constant 3 : i32
        %get3A_58 = arith.index_cast %get3A_57 : i32 to index
        %get3A_59 = arith.constant 0 : index
        %get3A_60 = tpu.vector_load %arg7[%get3A_58, %get3A_59] {strides = array<i32>} : memref<16x128xf32, #tpu.memory_space<vmem>>, vector<16xf32>,
        %add3A_61 = arith.addf %add3A_56, %get3A_60 : vector<16xf32>
        %get3A_62 = arith.constant 4 : i32
        %get3A_63 = arith.index_cast %get3A_62 : i32 to index
        %get3A_64 = arith.constant 0 : index
        %get3A_65 = tpu.vector_load %arg7[%get3A_63, %get3A_64] {strides = array<i32>} : memref<16x128xf32, #tpu.memory_space<vmem>>, vector<16xf32>,
        %add3A_66 = arith.addf %add3A_61, %get3A_65 : vector<16xf32>
        %get3A_67 = arith.constant 5 : i32
        %get3A_68 = arith.index_cast %get3A_67 : i32 to index
        %get3A_69 = arith.constant 0 : index
        %get3A_70 = tpu.vector_load %arg7[%get3A_68, %get3A_69] {strides = array<i32>} : memref<16x128xf32, #tpu.memory_space<vmem>>, vector<16xf32>,
        %add3A_71 = arith.addf %add3A_66, %get3A_70 : vector<16xf32>
        %get3A_72 = arith.constant 6 : i32
        %get3A_73 = arith.index_cast %get3A_72 : i32 to index
        %get3A_74 = arith.constant 0 : index
        %get3A_75 = tpu.vector_load %arg7[%get3A_73, %get3A_74] {strides = array<i32>} : memref<16x128xf32, #tpu.memory_space<vmem>>, vector<16xf32>,
        %add3A_76 = arith.addf %add3A_71, %get3A_75 : vector<16xf32>
        %get3A_77 = arith.constant 7 : i32
        %get3A_78 = arith.index_cast %get3A_77 : i32 to index
        %get3A_79 = arith.constant 0 : index
        %get3A_80 = tpu.vector_load %arg7[%get3A_78, %get3A_79] {strides = array<i32>} : memref<16x128xf32, #tpu.memory_space<vmem>>, vector<16xf32>,
        %add3A_81 = arith.addf %add3A_76, %get3A_80 : vector<16xf32>
        %get3A_82 = arith.constant 8 : i32
        %get3A_83 = arith.index_cast %get3A_82 : i32 to index
        %get3A_84 = arith.constant 0 : index
        %get3A_85 = tpu.vector_load %arg7[%get3A_83, %get3A_84] {strides = array<i32>} : memref<16x128xf32, #tpu.memory_space<vmem>>, vector<16xf32>,
        %add3A_86 = arith.addf %add3A_81, %get3A_85 : vector<16xf32>
        %get3A_87 = arith.constant 9 : i32
        %get3A_88 = arith.index_cast %get3A_87 : i32 to index
        %get3A_89 = arith.constant 0 : index
        %get3A_90 = tpu.vector_load %arg7[%get3A_88, %get3A_89] {strides = array<i32>} : memref<16x128xf32, #tpu.memory_space<vmem>>, vector<16xf32>,
        %add3A_91 = arith.addf %add3A_86, %get3A_90 : vector<16xf32>
        %get3A_92 = arith.constant 10 : i32
        %get3A_93 = arith.index_cast %get3A_92 : i32 to index
        %get3A_94 = arith.constant 0 : index
        %get3A_95 = tpu.vector_load %arg7[%get3A_93, %get3A_94] {strides = array<i32>} : memref<16x128xf32, #tpu.memory_space<vmem>>, vector<16xf32>,
        %add3A_96 = arith.addf %add3A_91, %get3A_95 : vector<16xf32>
        %get3A_97 = arith.constant 11 : i32
        %get3A_98 = arith.index_cast %get3A_97 : i32 to index
        %get3A_99 = arith.constant 0 : index
        %get3A_100 = tpu.vector_load %arg7[%get3A_98, %get3A_99] {strides = array<i32>} : memref<16x128xf32, #tpu.memory_space<vmem>>, vector<16xf32>,
        %add3A_101 = arith.addf %add3A_96, %get3A_100 : vector<16xf32>
        %get3A_102 = arith.constant 12 : i32
        %get3A_103 = arith.index_cast %get3A_102 : i32 to index
        %get3A_104 = arith.constant 0 : index
        %get3A_105 = tpu.vector_load %arg7[%get3A_103, %get3A_104] {strides = array<i32>} : memref<16x128xf32, #tpu.memory_space<vmem>>, vector<16xf32>,
        %add3A_106 = arith.addf %add3A_101, %get3A_105 : vector<16xf32>
        %get3A_107 = arith.constant 13 : i32
        %get3A_108 = arith.index_cast %get3A_107 : i32 to index
        %get3A_109 = arith.constant 0 : index
        %get3A_110 = tpu.vector_load %arg7[%get3A_108, %get3A_109] {strides = array<i32>} : memref<16x128xf32, #tpu.memory_space<vmem>>, vector<16xf32>,
        %add3A_111 = arith.addf %add3A_106, %get3A_110 : vector<16xf32>
        %get3A_112 = arith.constant 14 : i32
        %get3A_113 = arith.index_cast %get3A_112 : i32 to index
        %get3A_114 = arith.constant 0 : index
        %get3A_115 = tpu.vector_load %arg7[%get3A_113, %get3A_114] {strides = array<i32>} : memref<16x128xf32, #tpu.memory_space<vmem>>, vector<16xf32>,
        %add3A_116 = arith.addf %add3A_111, %get3A_115 : vector<16xf32>
        %get3A_117 = arith.constant 15 : i32
        %get3A_118 = arith.index_cast %get3A_117 : i32 to index
        %get3A_119 = arith.constant 0 : index
        %get3A_120 = tpu.vector_load %arg7[%get3A_118, %get3A_119] {strides = array<i32>} : memref<16x128xf32, #tpu.memory_space<vmem>>, vector<16xf32>,
        %add3A_121 = arith.addf %add3A_116, %get3A_120 : vector<16xf32>
        %swap3A = arith.constant 0 : index
        %swap3A_122 = tpu.vector_load %arg8[%swap3A] {strides = array<i32>} : memref<128xf32, #tpu.memory_space<vmem>>, vector<16xf32>,
        tpu.vector_store %arg8[%swap3A], %add3A_121 {strides = array<i32>} : memref<128xf32, #tpu.memory_space<vmem>>, vector<16xf32>,
        %get3A_123 = arith.constant 0 : i32
        %get3A_124 = arith.index_cast %get3A_123 : i32 to index
        %get3A_125 = arith.constant 16 : index
        %get3A_126 = tpu.vector_load %arg7[%get3A_124, %get3A_125] {strides = array<i32>} : memref<16x128xf32, #tpu.memory_space<vmem>>, vector<16xf32>,
        %get3A_127 = arith.constant 1 : i32
        %get3A_128 = arith.index_cast %get3A_127 : i32 to index
        %get3A_129 = arith.constant 16 : index
        %get3A_130 = tpu.vector_load %arg7[%get3A_128, %get3A_129] {strides = array<i32>} : memref<16x128xf32, #tpu.memory_space<vmem>>, vector<16xf32>,
        %add3A_131 = arith.addf %get3A_126, %get3A_130 : vector<16xf32>
        %get3A_132 = arith.constant 2 : i32
        %get3A_133 = arith.index_cast %get3A_132 : i32 to index
        %get3A_134 = arith.constant 16 : index
        %get3A_135 = tpu.vector_load %arg7[%get3A_133, %get3A_134] {strides = array<i32>} : memref<16x128xf32, #tpu.memory_space<vmem>>, vector<16xf32>,
        %add3A_136 = arith.addf %add3A_131, %get3A_135 : vector<16xf32>
        %get3A_137 = arith.constant 3 : i32
        %get3A_138 = arith.index_cast %get3A_137 : i32 to index
        %get3A_139 = arith.constant 16 : index
        %get3A_140 = tpu.vector_load %arg7[%get3A_138, %get3A_139] {strides = array<i32>} : memref<16x128xf32, #tpu.memory_space<vmem>>, vector<16xf32>,
        %add3A_141 = arith.addf %add3A_136, %get3A_140 : vector<16xf32>
        %get3A_142 = arith.constant 4 : i32
        %get3A_143 = arith.index_cast %get3A_142 : i32 to index
        %get3A_144 = arith.constant 16 : index
        %get3A_145 = tpu.vector_load %arg7[%get3A_143, %get3A_144] {strides = array<i32>} : memref<16x128xf32, #tpu.memory_space<vmem>>, vector<16xf32>,
        %add3A_146 = arith.addf %add3A_141, %get3A_145 : vector<16xf32>
        %get3A_147 = arith.constant 5 : i32
        %get3A_148 = arith.index_cast %get3A_147 : i32 to index
        %get3A_149 = arith.constant 16 : index
        %get3A_150 = tpu.vector_load %arg7[%get3A_148, %get3A_149] {strides = array<i32>} : memref<16x128xf32, #tpu.memory_space<vmem>>, vector<16xf32>,
        %add3A_151 = arith.addf %add3A_146, %get3A_150 : vector<16xf32>
        %get3A_152 = arith.constant 6 : i32
        %get3A_153 = arith.index_cast %get3A_152 : i32 to index
        %get3A_154 = arith.constant 16 : index
        %get3A_155 = tpu.vector_load %arg7[%get3A_153, %get3A_154] {strides = array<i32>} : memref<16x128xf32, #tpu.memory_space<vmem>>, vector<16xf32>,
        %add3A_156 = arith.addf %add3A_151, %get3A_155 : vector<16xf32>
        %get3A_157 = arith.constant 7 : i32
        %get3A_158 = arith.index_cast %get3A_157 : i32 to index
        %get3A_159 = arith.constant 16 : index
        %get3A_160 = tpu.vector_load %arg7[%get3A_158, %get3A_159] {strides = array<i32>} : memref<16x128xf32, #tpu.memory_space<vmem>>, vector<16xf32>,
        %add3A_161 = arith.addf %add3A_156, %get3A_160 : vector<16xf32>
        %get3A_162 = arith.constant 8 : i32
        %get3A_163 = arith.index_cast %get3A_162 : i32 to index
        %get3A_164 = arith.constant 16 : index
        %get3A_165 = tpu.vector_load %arg7[%get3A_163, %get3A_164] {strides = array<i32>} : memref<16x128xf32, #tpu.memory_space<vmem>>, vector<16xf32>,
        %add3A_166 = arith.addf %add3A_161, %get3A_165 : vector<16xf32>
        %get3A_167 = arith.constant 9 : i32
        %get3A_168 = arith.index_cast %get3A_167 : i32 to index
        %get3A_169 = arith.constant 16 : index
        %get3A_170 = tpu.vector_load %arg7[%get3A_168, %get3A_169] {strides = array<i32>} : memref<16x128xf32, #tpu.memory_space<vmem>>, vector<16xf32>,
        %add3A_171 = arith.addf %add3A_166, %get3A_170 : vector<16xf32>
        %get3A_172 = arith.constant 10 : i32
        %get3A_173 = arith.index_cast %get3A_172 : i32 to index
        %get3A_174 = arith.constant 16 : index
        %get3A_175 = tpu.vector_load %arg7[%get3A_173, %get3A_174] {strides = array<i32>} : memref<16x128xf32, #tpu.memory_space<vmem>>, vector<16xf32>,
        %add3A_176 = arith.addf %add3A_171, %get3A_175 : vector<16xf32>
        %get3A_177 = arith.constant 11 : i32
        %get3A_178 = arith.index_cast %get3A_177 : i32 to index
        %get3A_179 = arith.constant 16 : index
        %get3A_180 = tpu.vector_load %arg7[%get3A_178, %get3A_179] {strides = array<i32>} : memref<16x128xf32, #tpu.memory_space<vmem>>, vector<16xf32>,
        %add3A_181 = arith.addf %add3A_176, %get3A_180 : vector<16xf32>
        %get3A_182 = arith.constant 12 : i32
        %get3A_183 = arith.index_cast %get3A_182 : i32 to index
        %get3A_184 = arith.constant 16 : index
        %get3A_185 = tpu.vector_load %arg7[%get3A_183, %get3A_184] {strides = array<i32>} : memref<16x128xf32, #tpu.memory_space<vmem>>, vector<16xf32>,
        %add3A_186 = arith.addf %add3A_181, %get3A_185 : vector<16xf32>
        %get3A_187 = arith.constant 13 : i32
        %get3A_188 = arith.index_cast %get3A_187 : i32 to index
        %get3A_189 = arith.constant 16 : index
        %get3A_190 = tpu.vector_load %arg7[%get3A_188, %get3A_189] {strides = array<i32>} : memref<16x128xf32, #tpu.memory_space<vmem>>, vector<16xf32>,
        %add3A_191 = arith.addf %add3A_186, %get3A_190 : vector<16xf32>
        %get3A_192 = arith.constant 14 : i32
        %get3A_193 = arith.index_cast %get3A_192 : i32 to index
        %get3A_194 = arith.constant 16 : index
        %get3A_195 = tpu.vector_load %arg7[%get3A_193, %get3A_194] {strides = array<i32>} : memref<16x128xf32, #tpu.memory_space<vmem>>, vector<16xf32>,
        %add3A_196 = arith.addf %add3A_191, %get3A_195 : vector<16xf32>
        %get3A_197 = arith.constant 15 : i32
        %get3A_198 = arith.index_cast %get3A_197 : i32 to index
        %get3A_199 = arith.constant 16 : index
        %get3A_200 = tpu.vector_load %arg7[%get3A_198, %get3A_199] {strides = array<i32>} : memref<16x128xf32, #tpu.memory_space<vmem>>, vector<16xf32>,
        %add3A_201 = arith.addf %add3A_196, %get3A_200 : vector<16xf32>
        %swap3A_202 = arith.constant 16 : index
        %swap3A_203 = tpu.vector_load %arg8[%swap3A_202] {strides = array<i32>} : memref<128xf32, #tpu.memory_space<vmem>>, vector<16xf32>,
        tpu.vector_store %arg8[%swap3A_202], %add3A_201 {strides = array<i32>} : memref<128xf32, #tpu.memory_space<vmem>>, vector<16xf32>,
        %get3A_204 = arith.constant 0 : i32
        %get3A_205 = arith.index_cast %get3A_204 : i32 to index
        %get3A_206 = arith.constant 32 : index
        %get3A_207 = tpu.vector_load %arg7[%get3A_205, %get3A_206] {strides = array<i32>} : memref<16x128xf32, #tpu.memory_space<vmem>>, vector<16xf32>,
        %get3A_208 = arith.constant 1 : i32
        %get3A_209 = arith.index_cast %get3A_208 : i32 to index
        %get3A_210 = arith.constant 32 : index
        %get3A_211 = tpu.vector_load %arg7[%get3A_209, %get3A_210] {strides = array<i32>} : memref<16x128xf32, #tpu.memory_space<vmem>>, vector<16xf32>,
        %add3A_212 = arith.addf %get3A_207, %get3A_211 : vector<16xf32>
        %get3A_213 = arith.constant 2 : i32
        %get3A_214 = arith.index_cast %get3A_213 : i32 to index
        %get3A_215 = arith.constant 32 : index
        %get3A_216 = tpu.vector_load %arg7[%get3A_214, %get3A_215] {strides = array<i32>} : memref<16x128xf32, #tpu.memory_space<vmem>>, vector<16xf32>,
        %add3A_217 = arith.addf %add3A_212, %get3A_216 : vector<16xf32>
        %get3A_218 = arith.constant 3 : i32
        %get3A_219 = arith.index_cast %get3A_218 : i32 to index
        %get3A_220 = arith.constant 32 : index
        %get3A_221 = tpu.vector_load %arg7[%get3A_219, %get3A_220] {strides = array<i32>} : memref<16x128xf32, #tpu.memory_space<vmem>>, vector<16xf32>,
        %add3A_222 = arith.addf %add3A_217, %get3A_221 : vector<16xf32>
        %get3A_223 = arith.constant 4 : i32
        %get3A_224 = arith.index_cast %get3A_223 : i32 to index
        %get3A_225 = arith.constant 32 : index
        %get3A_226 = tpu.vector_load %arg7[%get3A_224, %get3A_225] {strides = array<i32>} : memref<16x128xf32, #tpu.memory_space<vmem>>, vector<16xf32>,
        %add3A_227 = arith.addf %add3A_222, %get3A_226 : vector<16xf32>
        %get3A_228 = arith.constant 5 : i32
        %get3A_229 = arith.index_cast %get3A_228 : i32 to index
        %get3A_230 = arith.constant 32 : index
        %get3A_231 = tpu.vector_load %arg7[%get3A_229, %get3A_230] {strides = array<i32>} : memref<16x128xf32, #tpu.memory_space<vmem>>, vector<16xf32>,
        %add3A_232 = arith.addf %add3A_227, %get3A_231 : vector<16xf32>
        %get3A_233 = arith.constant 6 : i32
        %get3A_234 = arith.index_cast %get3A_233 : i32 to index
        %get3A_235 = arith.constant 32 : index
        %get3A_236 = tpu.vector_load %arg7[%get3A_234, %get3A_235] {strides = array<i32>} : memref<16x128xf32, #tpu.memory_space<vmem>>, vector<16xf32>,
        %add3A_237 = arith.addf %add3A_232, %get3A_236 : vector<16xf32>
        %get3A_238 = arith.constant 7 : i32
        %get3A_239 = arith.index_cast %get3A_238 : i32 to index
        %get3A_240 = arith.constant 32 : index
        %get3A_241 = tpu.vector_load %arg7[%get3A_239, %get3A_240] {strides = array<i32>} : memref<16x128xf32, #tpu.memory_space<vmem>>, vector<16xf32>,
        %add3A_242 = arith.addf %add3A_237, %get3A_241 : vector<16xf32>
        %get3A_243 = arith.constant 8 : i32
        %get3A_244 = arith.index_cast %get3A_243 : i32 to index
        %get3A_245 = arith.constant 32 : index
        %get3A_246 = tpu.vector_load %arg7[%get3A_244, %get3A_245] {strides = array<i32>} : memref<16x128xf32, #tpu.memory_space<vmem>>, vector<16xf32>,
        %add3A_247 = arith.addf %add3A_242, %get3A_246 : vector<16xf32>
        %get3A_248 = arith.constant 9 : i32
        %get3A_249 = arith.index_cast %get3A_248 : i32 to index
        %get3A_250 = arith.constant 32 : index
        %get3A_251 = tpu.vector_load %arg7[%get3A_249, %get3A_250] {strides = array<i32>} : memref<16x128xf32, #tpu.memory_space<vmem>>, vector<16xf32>,
        %add3A_252 = arith.addf %add3A_247, %get3A_251 : vector<16xf32>
        %get3A_253 = arith.constant 10 : i32
        %get3A_254 = arith.index_cast %get3A_253 : i32 to index
        %get3A_255 = arith.constant 32 : index
        %get3A_256 = tpu.vector_load %arg7[%get3A_254, %get3A_255] {strides = array<i32>} : memref<16x128xf32, #tpu.memory_space<vmem>>, vector<16xf32>,
        %add3A_257 = arith.addf %add3A_252, %get3A_256 : vector<16xf32>
        %get3A_258 = arith.constant 11 : i32
        %get3A_259 = arith.index_cast %get3A_258 : i32 to index
        %get3A_260 = arith.constant 32 : index
        %get3A_261 = tpu.vector_load %arg7[%get3A_259, %get3A_260] {strides = array<i32>} : memref<16x128xf32, #tpu.memory_space<vmem>>, vector<16xf32>,
        %add3A_262 = arith.addf %add3A_257, %get3A_261 : vector<16xf32>
        %get3A_263 = arith.constant 12 : i32
        %get3A_264 = arith.index_cast %get3A_263 : i32 to index
        %get3A_265 = arith.constant 32 : index
        %get3A_266 = tpu.vector_load %arg7[%get3A_264, %get3A_265] {strides = array<i32>} : memref<16x128xf32, #tpu.memory_space<vmem>>, vector<16xf32>,
        %add3A_267 = arith.addf %add3A_262, %get3A_266 : vector<16xf32>
        %get3A_268 = arith.constant 13 : i32
        %get3A_269 = arith.index_cast %get3A_268 : i32 to index
        %get3A_270 = arith.constant 32 : index
        %get3A_271 = tpu.vector_load %arg7[%get3A_269, %get3A_270] {strides = array<i32>} : memref<16x128xf32, #tpu.memory_space<vmem>>, vector<16xf32>,
        %add3A_272 = arith.addf %add3A_267, %get3A_271 : vector<16xf32>
        %get3A_273 = arith.constant 14 : i32
        %get3A_274 = arith.index_cast %get3A_273 : i32 to index
        %get3A_275 = arith.constant 32 : index
        %get3A_276 = tpu.vector_load %arg7[%get3A_274, %get3A_275] {strides = array<i32>} : memref<16x128xf32, #tpu.memory_space<vmem>>, vector<16xf32>,
        %add3A_277 = arith.addf %add3A_272, %get3A_276 : vector<16xf32>
        %get3A_278 = arith.constant 15 : i32
        %get3A_279 = arith.index_cast %get3A_278 : i32 to index
        %get3A_280 = arith.constant 32 : index
        %get3A_281 = tpu.vector_load %arg7[%get3A_279, %get3A_280] {strides = array<i32>} : memref<16x128xf32, #tpu.memory_space<vmem>>, vector<16xf32>,
        %add3A_282 = arith.addf %add3A_277, %get3A_281 : vector<16xf32>
        %swap3A_283 = arith.constant 32 : index
        %swap3A_284 = tpu.vector_load %arg8[%swap3A_283] {strides = array<i32>} : memref<128xf32, #tpu.memory_space<vmem>>, vector<16xf32>,
        tpu.vector_store %arg8[%swap3A_283], %add3A_282 {strides = array<i32>} : memref<128xf32, #tpu.memory_space<vmem>>, vector<16xf32>,
        %get3A_285 = arith.constant 0 : i32
        %get3A_286 = arith.index_cast %get3A_285 : i32 to index
        %get3A_287 = arith.constant 48 : index
        %get3A_288 = tpu.vector_load %arg7[%get3A_286, %get3A_287] {strides = array<i32>} : memref<16x128xf32, #tpu.memory_space<vmem>>, vector<16xf32>,
        %get3A_289 = arith.constant 1 : i32
        %get3A_290 = arith.index_cast %get3A_289 : i32 to index
        %get3A_291 = arith.constant 48 : index
        %get3A_292 = tpu.vector_load %arg7[%get3A_290, %get3A_291] {strides = array<i32>} : memref<16x128xf32, #tpu.memory_space<vmem>>, vector<16xf32>,
        %add3A_293 = arith.addf %get3A_288, %get3A_292 : vector<16xf32>
        %get3A_294 = arith.constant 2 : i32
        %get3A_295 = arith.index_cast %get3A_294 : i32 to index
        %get3A_296 = arith.constant 48 : index
        %get3A_297 = tpu.vector_load %arg7[%get3A_295, %get3A_296] {strides = array<i32>} : memref<16x128xf32, #tpu.memory_space<vmem>>, vector<16xf32>,
        %add3A_298 = arith.addf %add3A_293, %get3A_297 : vector<16xf32>
        %get3A_299 = arith.constant 3 : i32
        %get3A_300 = arith.index_cast %get3A_299 : i32 to index
        %get3A_301 = arith.constant 48 : index
        %get3A_302 = tpu.vector_load %arg7[%get3A_300, %get3A_301] {strides = array<i32>} : memref<16x128xf32, #tpu.memory_space<vmem>>, vector<16xf32>,
        %add3A_303 = arith.addf %add3A_298, %get3A_302 : vector<16xf32>
        %get3A_304 = arith.constant 4 : i32
        %get3A_305 = arith.index_cast %get3A_304 : i32 to index
        %get3A_306 = arith.constant 48 : index
        %get3A_307 = tpu.vector_load %arg7[%get3A_305, %get3A_306] {strides = array<i32>} : memref<16x128xf32, #tpu.memory_space<vmem>>, vector<16xf32>,
        %add3A_308 = arith.addf %add3A_303, %get3A_307 : vector<16xf32>
        %get3A_309 = arith.constant 5 : i32
        %get3A_310 = arith.index_cast %get3A_309 : i32 to index
        %get3A_311 = arith.constant 48 : index
        %get3A_312 = tpu.vector_load %arg7[%get3A_310, %get3A_311] {strides = array<i32>} : memref<16x128xf32, #tpu.memory_space<vmem>>, vector<16xf32>,
        %add3A_313 = arith.addf %add3A_308, %get3A_312 : vector<16xf32>
        %get3A_314 = arith.constant 6 : i32
        %get3A_315 = arith.index_cast %get3A_314 : i32 to index
        %get3A_316 = arith.constant 48 : index
        %get3A_317 = tpu.vector_load %arg7[%get3A_315, %get3A_316] {strides = array<i32>} : memref<16x128xf32, #tpu.memory_space<vmem>>, vector<16xf32>,
        %add3A_318 = arith.addf %add3A_313, %get3A_317 : vector<16xf32>
        %get3A_319 = arith.constant 7 : i32
        %get3A_320 = arith.index_cast %get3A_319 : i32 to index
        %get3A_321 = arith.constant 48 : index
        %get3A_322 = tpu.vector_load %arg7[%get3A_320, %get3A_321] {strides = array<i32>} : memref<16x128xf32, #tpu.memory_space<vmem>>, vector<16xf32>,
        %add3A_323 = arith.addf %add3A_318, %get3A_322 : vector<16xf32>
        %get3A_324 = arith.constant 8 : i32
        %get3A_325 = arith.index_cast %get3A_324 : i32 to index
        %get3A_326 = arith.constant 48 : index
        %get3A_327 = tpu.vector_load %arg7[%get3A_325, %get3A_326] {strides = array<i32>} : memref<16x128xf32, #tpu.memory_space<vmem>>, vector<16xf32>,
        %add3A_328 = arith.addf %add3A_323, %get3A_327 : vector<16xf32>
        %get3A_329 = arith.constant 9 : i32
        %get3A_330 = arith.index_cast %get3A_329 : i32 to index
        %get3A_331 = arith.constant 48 : index
        %get3A_332 = tpu.vector_load %arg7[%get3A_330, %get3A_331] {strides = array<i32>} : memref<16x128xf32, #tpu.memory_space<vmem>>, vector<16xf32>,
        %add3A_333 = arith.addf %add3A_328, %get3A_332 : vector<16xf32>
        %get3A_334 = arith.constant 10 : i32
        %get3A_335 = arith.index_cast %get3A_334 : i32 to index
        %get3A_336 = arith.constant 48 : index
        %get3A_337 = tpu.vector_load %arg7[%get3A_335, %get3A_336] {strides = array<i32>} : memref<16x128xf32, #tpu.memory_space<vmem>>, vector<16xf32>,
        %add3A_338 = arith.addf %add3A_333, %get3A_337 : vector<16xf32>
        %get3A_339 = arith.constant 11 : i32
        %get3A_340 = arith.index_cast %get3A_339 : i32 to index
        %get3A_341 = arith.constant 48 : index
        %get3A_342 = tpu.vector_load %arg7[%get3A_340, %get3A_341] {strides = array<i32>} : memref<16x128xf32, #tpu.memory_space<vmem>>, vector<16xf32>,
        %add3A_343 = arith.addf %add3A_338, %get3A_342 : vector<16xf32>
        %get3A_344 = arith.constant 12 : i32
        %get3A_345 = arith.index_cast %get3A_344 : i32 to index
        %get3A_346 = arith.constant 48 : index
        %get3A_347 = tpu.vector_load %arg7[%get3A_345, %get3A_346] {strides = array<i32>} : memref<16x128xf32, #tpu.memory_space<vmem>>, vector<16xf32>,
        %add3A_348 = arith.addf %add3A_343, %get3A_347 : vector<16xf32>
        %get3A_349 = arith.constant 13 : i32
        %get3A_350 = arith.index_cast %get3A_349 : i32 to index
        %get3A_351 = arith.constant 48 : index
        %get3A_352 = tpu.vector_load %arg7[%get3A_350, %get3A_351] {strides = array<i32>} : memref<16x128xf32, #tpu.memory_space<vmem>>, vector<16xf32>,
        %add3A_353 = arith.addf %add3A_348, %get3A_352 : vector<16xf32>
        %get3A_354 = arith.constant 14 : i32
        %get3A_355 = arith.index_cast %get3A_354 : i32 to index
        %get3A_356 = arith.constant 48 : index
        %get3A_357 = tpu.vector_load %arg7[%get3A_355, %get3A_356] {strides = array<i32>} : memref<16x128xf32, #tpu.memory_space<vmem>>, vector<16xf32>,
        %add3A_358 = arith.addf %add3A_353, %get3A_357 : vector<16xf32>
        %get3A_359 = arith.constant 15 : i32
        %get3A_360 = arith.index_cast %get3A_359 : i32 to index
        %get3A_361 = arith.constant 48 : index
        %get3A_362 = tpu.vector_load %arg7[%get3A_360, %get3A_361] {strides = array<i32>} : memref<16x128xf32, #tpu.memory_space<vmem>>, vector<16xf32>,
        %add3A_363 = arith.addf %add3A_358, %get3A_362 : vector<16xf32>
        %swap3A_364 = arith.constant 48 : index
        %swap3A_365 = tpu.vector_load %arg8[%swap3A_364] {strides = array<i32>} : memref<128xf32, #tpu.memory_space<vmem>>, vector<16xf32>,
        tpu.vector_store %arg8[%swap3A_364], %add3A_363 {strides = array<i32>} : memref<128xf32, #tpu.memory_space<vmem>>, vector<16xf32>,
        %get3A_366 = arith.constant 0 : i32
        %get3A_367 = arith.index_cast %get3A_366 : i32 to index
        %get3A_368 = arith.constant 64 : index
        %get3A_369 = tpu.vector_load %arg7[%get3A_367, %get3A_368] {strides = array<i32>} : memref<16x128xf32, #tpu.memory_space<vmem>>, vector<16xf32>,
        %get3A_370 = arith.constant 1 : i32
        %get3A_371 = arith.index_cast %get3A_370 : i32 to index
        %get3A_372 = arith.constant 64 : index
        %get3A_373 = tpu.vector_load %arg7[%get3A_371, %get3A_372] {strides = array<i32>} : memref<16x128xf32, #tpu.memory_space<vmem>>, vector<16xf32>,
        %add3A_374 = arith.addf %get3A_369, %get3A_373 : vector<16xf32>
        %get3A_375 = arith.constant 2 : i32
        %get3A_376 = arith.index_cast %get3A_375 : i32 to index
        %get3A_377 = arith.constant 64 : index
        %get3A_378 = tpu.vector_load %arg7[%get3A_376, %get3A_377] {strides = array<i32>} : memref<16x128xf32, #tpu.memory_space<vmem>>, vector<16xf32>,
        %add3A_379 = arith.addf %add3A_374, %get3A_378 : vector<16xf32>
        %get3A_380 = arith.constant 3 : i32
        %get3A_381 = arith.index_cast %get3A_380 : i32 to index
        %get3A_382 = arith.constant 64 : index
        %get3A_383 = tpu.vector_load %arg7[%get3A_381, %get3A_382] {strides = array<i32>} : memref<16x128xf32, #tpu.memory_space<vmem>>, vector<16xf32>,
        %add3A_384 = arith.addf %add3A_379, %get3A_383 : vector<16xf32>
        %get3A_385 = arith.constant 4 : i32
        %get3A_386 = arith.index_cast %get3A_385 : i32 to index
        %get3A_387 = arith.constant 64 : index
        %get3A_388 = tpu.vector_load %arg7[%get3A_386, %get3A_387] {strides = array<i32>} : memref<16x128xf32, #tpu.memory_space<vmem>>, vector<16xf32>,
        %add3A_389 = arith.addf %add3A_384, %get3A_388 : vector<16xf32>
        %get3A_390 = arith.constant 5 : i32
        %get3A_391 = arith.index_cast %get3A_390 : i32 to index
        %get3A_392 = arith.constant 64 : index
        %get3A_393 = tpu.vector_load %arg7[%get3A_391, %get3A_392] {strides = array<i32>} : memref<16x128xf32, #tpu.memory_space<vmem>>, vector<16xf32>,
        %add3A_394 = arith.addf %add3A_389, %get3A_393 : vector<16xf32>
        %get3A_395 = arith.constant 6 : i32
        %get3A_396 = arith.index_cast %get3A_395 : i32 to index
        %get3A_397 = arith.constant 64 : index
        %get3A_398 = tpu.vector_load %arg7[%get3A_396, %get3A_397] {strides = array<i32>} : memref<16x128xf32, #tpu.memory_space<vmem>>, vector<16xf32>,
        %add3A_399 = arith.addf %add3A_394, %get3A_398 : vector<16xf32>
        %get3A_400 = arith.constant 7 : i32
        %get3A_401 = arith.index_cast %get3A_400 : i32 to index
        %get3A_402 = arith.constant 64 : index
        %get3A_403 = tpu.vector_load %arg7[%get3A_401, %get3A_402] {strides = array<i32>} : memref<16x128xf32, #tpu.memory_space<vmem>>, vector<16xf32>,
        %add3A_404 = arith.addf %add3A_399, %get3A_403 : vector<16xf32>
        %get3A_405 = arith.constant 8 : i32
        %get3A_406 = arith.index_cast %get3A_405 : i32 to index
        %get3A_407 = arith.constant 64 : index
        %get3A_408 = tpu.vector_load %arg7[%get3A_406, %get3A_407] {strides = array<i32>} : memref<16x128xf32, #tpu.memory_space<vmem>>, vector<16xf32>,
        %add3A_409 = arith.addf %add3A_404, %get3A_408 : vector<16xf32>
        %get3A_410 = arith.constant 9 : i32
        %get3A_411 = arith.index_cast %get3A_410 : i32 to index
        %get3A_412 = arith.constant 64 : index
        %get3A_413 = tpu.vector_load %arg7[%get3A_411, %get3A_412] {strides = array<i32>} : memref<16x128xf32, #tpu.memory_space<vmem>>, vector<16xf32>,
        %add3A_414 = arith.addf %add3A_409, %get3A_413 : vector<16xf32>
        %get3A_415 = arith.constant 10 : i32
        %get3A_416 = arith.index_cast %get3A_415 : i32 to index
        %get3A_417 = arith.constant 64 : index
        %get3A_418 = tpu.vector_load %arg7[%get3A_416, %get3A_417] {strides = array<i32>} : memref<16x128xf32, #tpu.memory_space<vmem>>, vector<16xf32>,
        %add3A_419 = arith.addf %add3A_414, %get3A_418 : vector<16xf32>
        %get3A_420 = arith.constant 11 : i32
        %get3A_421 = arith.index_cast %get3A_420 : i32 to index
        %get3A_422 = arith.constant 64 : index
        %get3A_423 = tpu.vector_load %arg7[%get3A_421, %get3A_422] {strides = array<i32>} : memref<16x128xf32, #tpu.memory_space<vmem>>, vector<16xf32>,
        %add3A_424 = arith.addf %add3A_419, %get3A_423 : vector<16xf32>
        %get3A_425 = arith.constant 12 : i32
        %get3A_426 = arith.index_cast %get3A_425 : i32 to index
        %get3A_427 = arith.constant 64 : index
        %get3A_428 = tpu.vector_load %arg7[%get3A_426, %get3A_427] {strides = array<i32>} : memref<16x128xf32, #tpu.memory_space<vmem>>, vector<16xf32>,
        %add3A_429 = arith.addf %add3A_424, %get3A_428 : vector<16xf32>
        %get3A_430 = arith.constant 13 : i32
        %get3A_431 = arith.index_cast %get3A_430 : i32 to index
        %get3A_432 = arith.constant 64 : index
        %get3A_433 = tpu.vector_load %arg7[%get3A_431, %get3A_432] {strides = array<i32>} : memref<16x128xf32, #tpu.memory_space<vmem>>, vector<16xf32>,
        %add3A_434 = arith.addf %add3A_429, %get3A_433 : vector<16xf32>
        %get3A_435 = arith.constant 14 : i32
        %get3A_436 = arith.index_cast %get3A_435 : i32 to index
        %get3A_437 = arith.constant 64 : index
        %get3A_438 = tpu.vector_load %arg7[%get3A_436, %get3A_437] {strides = array<i32>} : memref<16x128xf32, #tpu.memory_space<vmem>>, vector<16xf32>,
        %add3A_439 = arith.addf %add3A_434, %get3A_438 : vector<16xf32>
        %get3A_440 = arith.constant 15 : i32
        %get3A_441 = arith.index_cast %get3A_440 : i32 to index
        %get3A_442 = arith.constant 64 : index
        %get3A_443 = tpu.vector_load %arg7[%get3A_441, %get3A_442] {strides = array<i32>} : memref<16x128xf32, #tpu.memory_space<vmem>>, vector<16xf32>,
        %add3A_444 = arith.addf %add3A_439, %get3A_443 : vector<16xf32>
        %swap3A_445 = arith.constant 64 : index
        %swap3A_446 = tpu.vector_load %arg8[%swap3A_445] {strides = array<i32>} : memref<128xf32, #tpu.memory_space<vmem>>, vector<16xf32>,
        tpu.vector_store %arg8[%swap3A_445], %add3A_444 {strides = array<i32>} : memref<128xf32, #tpu.memory_space<vmem>>, vector<16xf32>,
        %get3A_447 = arith.constant 0 : i32
        %get3A_448 = arith.index_cast %get3A_447 : i32 to index
        %get3A_449 = arith.constant 80 : index
        %get3A_450 = tpu.vector_load %arg7[%get3A_448, %get3A_449] {strides = array<i32>} : memref<16x128xf32, #tpu.memory_space<vmem>>, vector<16xf32>,
        %get3A_451 = arith.constant 1 : i32
        %get3A_452 = arith.index_cast %get3A_451 : i32 to index
        %get3A_453 = arith.constant 80 : index
        %get3A_454 = tpu.vector_load %arg7[%get3A_452, %get3A_453] {strides = array<i32>} : memref<16x128xf32, #tpu.memory_space<vmem>>, vector<16xf32>,
        %add3A_455 = arith.addf %get3A_450, %get3A_454 : vector<16xf32>
        %get3A_456 = arith.constant 2 : i32
        %get3A_457 = arith.index_cast %get3A_456 : i32 to index
        %get3A_458 = arith.constant 80 : index
        %get3A_459 = tpu.vector_load %arg7[%get3A_457, %get3A_458] {strides = array<i32>} : memref<16x128xf32, #tpu.memory_space<vmem>>, vector<16xf32>,
        %add3A_460 = arith.addf %add3A_455, %get3A_459 : vector<16xf32>
        %get3A_461 = arith.constant 3 : i32
        %get3A_462 = arith.index_cast %get3A_461 : i32 to index
        %get3A_463 = arith.constant 80 : index
        %get3A_464 = tpu.vector_load %arg7[%get3A_462, %get3A_463] {strides = array<i32>} : memref<16x128xf32, #tpu.memory_space<vmem>>, vector<16xf32>,
        %add3A_465 = arith.addf %add3A_460, %get3A_464 : vector<16xf32>
        %get3A_466 = arith.constant 4 : i32
        %get3A_467 = arith.index_cast %get3A_466 : i32 to index
        %get3A_468 = arith.constant 80 : index
        %get3A_469 = tpu.vector_load %arg7[%get3A_467, %get3A_468] {strides = array<i32>} : memref<16x128xf32, #tpu.memory_space<vmem>>, vector<16xf32>,
        %add3A_470 = arith.addf %add3A_465, %get3A_469 : vector<16xf32>
        %get3A_471 = arith.constant 5 : i32
        %get3A_472 = arith.index_cast %get3A_471 : i32 to index
        %get3A_473 = arith.constant 80 : index
        %get3A_474 = tpu.vector_load %arg7[%get3A_472, %get3A_473] {strides = array<i32>} : memref<16x128xf32, #tpu.memory_space<vmem>>, vector<16xf32>,
        %add3A_475 = arith.addf %add3A_470, %get3A_474 : vector<16xf32>
        %get3A_476 = arith.constant 6 : i32
        %get3A_477 = arith.index_cast %get3A_476 : i32 to index
        %get3A_478 = arith.constant 80 : index
        %get3A_479 = tpu.vector_load %arg7[%get3A_477, %get3A_478] {strides = array<i32>} : memref<16x128xf32, #tpu.memory_space<vmem>>, vector<16xf32>,
        %add3A_480 = arith.addf %add3A_475, %get3A_479 : vector<16xf32>
        %get3A_481 = arith.constant 7 : i32
        %get3A_482 = arith.index_cast %get3A_481 : i32 to index
        %get3A_483 = arith.constant 80 : index
        %get3A_484 = tpu.vector_load %arg7[%get3A_482, %get3A_483] {strides = array<i32>} : memref<16x128xf32, #tpu.memory_space<vmem>>, vector<16xf32>,
        %add3A_485 = arith.addf %add3A_480, %get3A_484 : vector<16xf32>
        %get3A_486 = arith.constant 8 : i32
        %get3A_487 = arith.index_cast %get3A_486 : i32 to index
        %get3A_488 = arith.constant 80 : index
        %get3A_489 = tpu.vector_load %arg7[%get3A_487, %get3A_488] {strides = array<i32>} : memref<16x128xf32, #tpu.memory_space<vmem>>, vector<16xf32>,
        %add3A_490 = arith.addf %add3A_485, %get3A_489 : vector<16xf32>
        %get3A_491 = arith.constant 9 : i32
        %get3A_492 = arith.index_cast %get3A_491 : i32 to index
        %get3A_493 = arith.constant 80 : index
        %get3A_494 = tpu.vector_load %arg7[%get3A_492, %get3A_493] {strides = array<i32>} : memref<16x128xf32, #tpu.memory_space<vmem>>, vector<16xf32>,
        %add3A_495 = arith.addf %add3A_490, %get3A_494 : vector<16xf32>
        %get3A_496 = arith.constant 10 : i32
        %get3A_497 = arith.index_cast %get3A_496 : i32 to index
        %get3A_498 = arith.constant 80 : index
        %get3A_499 = tpu.vector_load %arg7[%get3A_497, %get3A_498] {strides = array<i32>} : memref<16x128xf32, #tpu.memory_space<vmem>>, vector<16xf32>,
        %add3A_500 = arith.addf %add3A_495, %get3A_499 : vector<16xf32>
        %get3A_501 = arith.constant 11 : i32
        %get3A_502 = arith.index_cast %get3A_501 : i32 to index
        %get3A_503 = arith.constant 80 : index
        %get3A_504 = tpu.vector_load %arg7[%get3A_502, %get3A_503] {strides = array<i32>} : memref<16x128xf32, #tpu.memory_space<vmem>>, vector<16xf32>,
        %add3A_505 = arith.addf %add3A_500, %get3A_504 : vector<16xf32>
        %get3A_506 = arith.constant 12 : i32
        %get3A_507 = arith.index_cast %get3A_506 : i32 to index
        %get3A_508 = arith.constant 80 : index
        %get3A_509 = tpu.vector_load %arg7[%get3A_507, %get3A_508] {strides = array<i32>} : memref<16x128xf32, #tpu.memory_space<vmem>>, vector<16xf32>,
        %add3A_510 = arith.addf %add3A_505, %get3A_509 : vector<16xf32>
        %get3A_511 = arith.constant 13 : i32
        %get3A_512 = arith.index_cast %get3A_511 : i32 to index
        %get3A_513 = arith.constant 80 : index
        %get3A_514 = tpu.vector_load %arg7[%get3A_512, %get3A_513] {strides = array<i32>} : memref<16x128xf32, #tpu.memory_space<vmem>>, vector<16xf32>,
        %add3A_515 = arith.addf %add3A_510, %get3A_514 : vector<16xf32>
        %get3A_516 = arith.constant 14 : i32
        %get3A_517 = arith.index_cast %get3A_516 : i32 to index
        %get3A_518 = arith.constant 80 : index
        %get3A_519 = tpu.vector_load %arg7[%get3A_517, %get3A_518] {strides = array<i32>} : memref<16x128xf32, #tpu.memory_space<vmem>>, vector<16xf32>,
        %add3A_520 = arith.addf %add3A_515, %get3A_519 : vector<16xf32>
        %get3A_521 = arith.constant 15 : i32
        %get3A_522 = arith.index_cast %get3A_521 : i32 to index
        %get3A_523 = arith.constant 80 : index
        %get3A_524 = tpu.vector_load %arg7[%get3A_522, %get3A_523] {strides = array<i32>} : memref<16x128xf32, #tpu.memory_space<vmem>>, vector<16xf32>,
        %add3A_525 = arith.addf %add3A_520, %get3A_524 : vector<16xf32>
        %swap3A_526 = arith.constant 80 : index
        %swap3A_527 = tpu.vector_load %arg8[%swap3A_526] {strides = array<i32>} : memref<128xf32, #tpu.memory_space<vmem>>, vector<16xf32>,
        tpu.vector_store %arg8[%swap3A_526], %add3A_525 {strides = array<i32>} : memref<128xf32, #tpu.memory_space<vmem>>, vector<16xf32>,
        %get3A_528 = arith.constant 0 : i32
        %get3A_529 = arith.index_cast %get3A_528 : i32 to index
        %get3A_530 = arith.constant 96 : index
        %get3A_531 = tpu.vector_load %arg7[%get3A_529, %get3A_530] {strides = array<i32>} : memref<16x128xf32, #tpu.memory_space<vmem>>, vector<16xf32>,
        %get3A_532 = arith.constant 1 : i32
        %get3A_533 = arith.index_cast %get3A_532 : i32 to index
        %get3A_534 = arith.constant 96 : index
        %get3A_535 = tpu.vector_load %arg7[%get3A_533, %get3A_534] {strides = array<i32>} : memref<16x128xf32, #tpu.memory_space<vmem>>, vector<16xf32>,
        %add3A_536 = arith.addf %get3A_531, %get3A_535 : vector<16xf32>
        %get3A_537 = arith.constant 2 : i32
        %get3A_538 = arith.index_cast %get3A_537 : i32 to index
        %get3A_539 = arith.constant 96 : index
        %get3A_540 = tpu.vector_load %arg7[%get3A_538, %get3A_539] {strides = array<i32>} : memref<16x128xf32, #tpu.memory_space<vmem>>, vector<16xf32>,
        %add3A_541 = arith.addf %add3A_536, %get3A_540 : vector<16xf32>
        %get3A_542 = arith.constant 3 : i32
        %get3A_543 = arith.index_cast %get3A_542 : i32 to index
        %get3A_544 = arith.constant 96 : index
        %get3A_545 = tpu.vector_load %arg7[%get3A_543, %get3A_544] {strides = array<i32>} : memref<16x128xf32, #tpu.memory_space<vmem>>, vector<16xf32>,
        %add3A_546 = arith.addf %add3A_541, %get3A_545 : vector<16xf32>
        %get3A_547 = arith.constant 4 : i32
        %get3A_548 = arith.index_cast %get3A_547 : i32 to index
        %get3A_549 = arith.constant 96 : index
        %get3A_550 = tpu.vector_load %arg7[%get3A_548, %get3A_549] {strides = array<i32>} : memref<16x128xf32, #tpu.memory_space<vmem>>, vector<16xf32>,
        %add3A_551 = arith.addf %add3A_546, %get3A_550 : vector<16xf32>
        %get3A_552 = arith.constant 5 : i32
        %get3A_553 = arith.index_cast %get3A_552 : i32 to index
        %get3A_554 = arith.constant 96 : index
        %get3A_555 = tpu.vector_load %arg7[%get3A_553, %get3A_554] {strides = array<i32>} : memref<16x128xf32, #tpu.memory_space<vmem>>, vector<16xf32>,
        %add3A_556 = arith.addf %add3A_551, %get3A_555 : vector<16xf32>
        %get3A_557 = arith.constant 6 : i32
        %get3A_558 = arith.index_cast %get3A_557 : i32 to index
        %get3A_559 = arith.constant 96 : index
        %get3A_560 = tpu.vector_load %arg7[%get3A_558, %get3A_559] {strides = array<i32>} : memref<16x128xf32, #tpu.memory_space<vmem>>, vector<16xf32>,
        %add3A_561 = arith.addf %add3A_556, %get3A_560 : vector<16xf32>
        %get3A_562 = arith.constant 7 : i32
        %get3A_563 = arith.index_cast %get3A_562 : i32 to index
        %get3A_564 = arith.constant 96 : index
        %get3A_565 = tpu.vector_load %arg7[%get3A_563, %get3A_564] {strides = array<i32>} : memref<16x128xf32, #tpu.memory_space<vmem>>, vector<16xf32>,
        %add3A_566 = arith.addf %add3A_561, %get3A_565 : vector<16xf32>
        %get3A_567 = arith.constant 8 : i32
        %get3A_568 = arith.index_cast %get3A_567 : i32 to index
        %get3A_569 = arith.constant 96 : index
        %get3A_570 = tpu.vector_load %arg7[%get3A_568, %get3A_569] {strides = array<i32>} : memref<16x128xf32, #tpu.memory_space<vmem>>, vector<16xf32>,
        %add3A_571 = arith.addf %add3A_566, %get3A_570 : vector<16xf32>
        %get3A_572 = arith.constant 9 : i32
        %get3A_573 = arith.index_cast %get3A_572 : i32 to index
        %get3A_574 = arith.constant 96 : index
        %get3A_575 = tpu.vector_load %arg7[%get3A_573, %get3A_574] {strides = array<i32>} : memref<16x128xf32, #tpu.memory_space<vmem>>, vector<16xf32>,
        %add3A_576 = arith.addf %add3A_571, %get3A_575 : vector<16xf32>
        %get3A_577 = arith.constant 10 : i32
        %get3A_578 = arith.index_cast %get3A_577 : i32 to index
        %get3A_579 = arith.constant 96 : index
        %get3A_580 = tpu.vector_load %arg7[%get3A_578, %get3A_579] {strides = array<i32>} : memref<16x128xf32, #tpu.memory_space<vmem>>, vector<16xf32>,
        %add3A_581 = arith.addf %add3A_576, %get3A_580 : vector<16xf32>
        %get3A_582 = arith.constant 11 : i32
        %get3A_583 = arith.index_cast %get3A_582 : i32 to index
        %get3A_584 = arith.constant 96 : index
        %get3A_585 = tpu.vector_load %arg7[%get3A_583, %get3A_584] {strides = array<i32>} : memref<16x128xf32, #tpu.memory_space<vmem>>, vector<16xf32>,
        %add3A_586 = arith.addf %add3A_581, %get3A_585 : vector<16xf32>
        %get3A_587 = arith.constant 12 : i32
        %get3A_588 = arith.index_cast %get3A_587 : i32 to index
        %get3A_589 = arith.constant 96 : index
        %get3A_590 = tpu.vector_load %arg7[%get3A_588, %get3A_589] {strides = array<i32>} : memref<16x128xf32, #tpu.memory_space<vmem>>, vector<16xf32>,
        %add3A_591 = arith.addf %add3A_586, %get3A_590 : vector<16xf32>
        %get3A_592 = arith.constant 13 : i32
        %get3A_593 = arith.index_cast %get3A_592 : i32 to index
        %get3A_594 = arith.constant 96 : index
        %get3A_595 = tpu.vector_load %arg7[%get3A_593, %get3A_594] {strides = array<i32>} : memref<16x128xf32, #tpu.memory_space<vmem>>, vector<16xf32>,
        %add3A_596 = arith.addf %add3A_591, %get3A_595 : vector<16xf32>
        %get3A_597 = arith.constant 14 : i32
        %get3A_598 = arith.index_cast %get3A_597 : i32 to index
        %get3A_599 = arith.constant 96 : index
        %get3A_600 = tpu.vector_load %arg7[%get3A_598, %get3A_599] {strides = array<i32>} : memref<16x128xf32, #tpu.memory_space<vmem>>, vector<16xf32>,
        %add3A_601 = arith.addf %add3A_596, %get3A_600 : vector<16xf32>
        %get3A_602 = arith.constant 15 : i32
        %get3A_603 = arith.index_cast %get3A_602 : i32 to index
        %get3A_604 = arith.constant 96 : index
        %get3A_605 = tpu.vector_load %arg7[%get3A_603, %get3A_604] {strides = array<i32>} : memref<16x128xf32, #tpu.memory_space<vmem>>, vector<16xf32>,
        %add3A_606 = arith.addf %add3A_601, %get3A_605 : vector<16xf32>
        %swap3A_607 = arith.constant 96 : index
        %swap3A_608 = tpu.vector_load %arg8[%swap3A_607] {strides = array<i32>} : memref<128xf32, #tpu.memory_space<vmem>>, vector<16xf32>,
        tpu.vector_store %arg8[%swap3A_607], %add3A_606 {strides = array<i32>} : memref<128xf32, #tpu.memory_space<vmem>>, vector<16xf32>,
        %get3A_609 = arith.constant 0 : i32
        %get3A_610 = arith.index_cast %get3A_609 : i32 to index
        %get3A_611 = arith.constant 112 : index
        %get3A_612 = tpu.vector_load %arg7[%get3A_610, %get3A_611] {strides = array<i32>} : memref<16x128xf32, #tpu.memory_space<vmem>>, vector<16xf32>,
        %get3A_613 = arith.constant 1 : i32
        %get3A_614 = arith.index_cast %get3A_613 : i32 to index
        %get3A_615 = arith.constant 112 : index
        %get3A_616 = tpu.vector_load %arg7[%get3A_614, %get3A_615] {strides = array<i32>} : memref<16x128xf32, #tpu.memory_space<vmem>>, vector<16xf32>,
        %add3A_617 = arith.addf %get3A_612, %get3A_616 : vector<16xf32>
        %get3A_618 = arith.constant 2 : i32
        %get3A_619 = arith.index_cast %get3A_618 : i32 to index
        %get3A_620 = arith.constant 112 : index
        %get3A_621 = tpu.vector_load %arg7[%get3A_619, %get3A_620] {strides = array<i32>} : memref<16x128xf32, #tpu.memory_space<vmem>>, vector<16xf32>,
        %add3A_622 = arith.addf %add3A_617, %get3A_621 : vector<16xf32>
        %get3A_623 = arith.constant 3 : i32
        %get3A_624 = arith.index_cast %get3A_623 : i32 to index
        %get3A_625 = arith.constant 112 : index
        %get3A_626 = tpu.vector_load %arg7[%get3A_624, %get3A_625] {strides = array<i32>} : memref<16x128xf32, #tpu.memory_space<vmem>>, vector<16xf32>,
        %add3A_627 = arith.addf %add3A_622, %get3A_626 : vector<16xf32>
        %get3A_628 = arith.constant 4 : i32
        %get3A_629 = arith.index_cast %get3A_628 : i32 to index
        %get3A_630 = arith.constant 112 : index
        %get3A_631 = tpu.vector_load %arg7[%get3A_629, %get3A_630] {strides = array<i32>} : memref<16x128xf32, #tpu.memory_space<vmem>>, vector<16xf32>,
        %add3A_632 = arith.addf %add3A_627, %get3A_631 : vector<16xf32>
        %get3A_633 = arith.constant 5 : i32
        %get3A_634 = arith.index_cast %get3A_633 : i32 to index
        %get3A_635 = arith.constant 112 : index
        %get3A_636 = tpu.vector_load %arg7[%get3A_634, %get3A_635] {strides = array<i32>} : memref<16x128xf32, #tpu.memory_space<vmem>>, vector<16xf32>,
        %add3A_637 = arith.addf %add3A_632, %get3A_636 : vector<16xf32>
        %get3A_638 = arith.constant 6 : i32
        %get3A_639 = arith.index_cast %get3A_638 : i32 to index
        %get3A_640 = arith.constant 112 : index
        %get3A_641 = tpu.vector_load %arg7[%get3A_639, %get3A_640] {strides = array<i32>} : memref<16x128xf32, #tpu.memory_space<vmem>>, vector<16xf32>,
        %add3A_642 = arith.addf %add3A_637, %get3A_641 : vector<16xf32>
        %get3A_643 = arith.constant 7 : i32
        %get3A_644 = arith.index_cast %get3A_643 : i32 to index
        %get3A_645 = arith.constant 112 : index
        %get3A_646 = tpu.vector_load %arg7[%get3A_644, %get3A_645] {strides = array<i32>} : memref<16x128xf32, #tpu.memory_space<vmem>>, vector<16xf32>,
        %add3A_647 = arith.addf %add3A_642, %get3A_646 : vector<16xf32>
        %get3A_648 = arith.constant 8 : i32
        %get3A_649 = arith.index_cast %get3A_648 : i32 to index
        %get3A_650 = arith.constant 112 : index
        %get3A_651 = tpu.vector_load %arg7[%get3A_649, %get3A_650] {strides = array<i32>} : memref<16x128xf32, #tpu.memory_space<vmem>>, vector<16xf32>,
        %add3A_652 = arith.addf %add3A_647, %get3A_651 : vector<16xf32>
        %get3A_653 = arith.constant 9 : i32
        %get3A_654 = arith.index_cast %get3A_653 : i32 to index
        %get3A_655 = arith.constant 112 : index
        %get3A_656 = tpu.vector_load %arg7[%get3A_654, %get3A_655] {strides = array<i32>} : memref<16x128xf32, #tpu.memory_space<vmem>>, vector<16xf32>,
        %add3A_657 = arith.addf %add3A_652, %get3A_656 : vector<16xf32>
        %get3A_658 = arith.constant 10 : i32
        %get3A_659 = arith.index_cast %get3A_658 : i32 to index
        %get3A_660 = arith.constant 112 : index
        %get3A_661 = tpu.vector_load %arg7[%get3A_659, %get3A_660] {strides = array<i32>} : memref<16x128xf32, #tpu.memory_space<vmem>>, vector<16xf32>,
        %add3A_662 = arith.addf %add3A_657, %get3A_661 : vector<16xf32>
        %get3A_663 = arith.constant 11 : i32
        %get3A_664 = arith.index_cast %get3A_663 : i32 to index
        %get3A_665 = arith.constant 112 : index
        %get3A_666 = tpu.vector_load %arg7[%get3A_664, %get3A_665] {strides = array<i32>} : memref<16x128xf32, #tpu.memory_space<vmem>>, vector<16xf32>,
        %add3A_667 = arith.addf %add3A_662, %get3A_666 : vector<16xf32>
        %get3A_668 = arith.constant 12 : i32
        %get3A_669 = arith.index_cast %get3A_668 : i32 to index
        %get3A_670 = arith.constant 112 : index
        %get3A_671 = tpu.vector_load %arg7[%get3A_669, %get3A_670] {strides = array<i32>} : memref<16x128xf32, #tpu.memory_space<vmem>>, vector<16xf32>,
        %add3A_672 = arith.addf %add3A_667, %get3A_671 : vector<16xf32>
        %get3A_673 = arith.constant 13 : i32
        %get3A_674 = arith.index_cast %get3A_673 : i32 to index
        %get3A_675 = arith.constant 112 : index
        %get3A_676 = tpu.vector_load %arg7[%get3A_674, %get3A_675] {strides = array<i32>} : memref<16x128xf32, #tpu.memory_space<vmem>>, vector<16xf32>,
        %add3A_677 = arith.addf %add3A_672, %get3A_676 : vector<16xf32>
        %get3A_678 = arith.constant 14 : i32
        %get3A_679 = arith.index_cast %get3A_678 : i32 to index
        %get3A_680 = arith.constant 112 : index
        %get3A_681 = tpu.vector_load %arg7[%get3A_679, %get3A_680] {strides = array<i32>} : memref<16x128xf32, #tpu.memory_space<vmem>>, vector<16xf32>,
        %add3A_682 = arith.addf %add3A_677, %get3A_681 : vector<16xf32>
        %get3A_683 = arith.constant 15 : i32
        %get3A_684 = arith.index_cast %get3A_683 : i32 to index
        %get3A_685 = arith.constant 112 : index
        %get3A_686 = tpu.vector_load %arg7[%get3A_684, %get3A_685] {strides = array<i32>} : memref<16x128xf32, #tpu.memory_space<vmem>>, vector<16xf32>,
        %add3A_687 = arith.addf %add3A_682, %get3A_686 : vector<16xf32>
        %swap3A_688 = arith.constant 112 : index
        %swap3A_689 = tpu.vector_load %arg8[%swap3A_688] {strides = array<i32>} : memref<128xf32, #tpu.memory_space<vmem>>, vector<16xf32>,
        tpu.vector_store %arg8[%swap3A_688], %add3A_687 {strides = array<i32>} : memref<128xf32, #tpu.memory_space<vmem>>, vector<16xf32>,
        %mul3A_690 = arith.constant 128 : i32
        %mul3A_691 = arith.muli %arg1, %mul3A_690 : i32
        "tpu.region"() ({
          %run_scoped3A = tpu.sem_alloc : memref<!tpu.dma_semaphore, #tpu.memory_space<semaphore_mem>>
          %dma_start3A = tpu.memref_slice %arg10[%mul3A_691] : memref<1024xf32, #tpu.memory_space<vmem_shared>> -> memref<128xf32, #tpu.memory_space<vmem_shared>>
          %dma_start3A_692 = tpu.memref_slice %arg10[%mul3A_691] : memref<1024xf32, #tpu.memory_space<vmem_shared>> -> memref<128xf32, #tpu.memory_space<vmem_shared>>
          tpu.enqueue_dma source(%arg8 : memref<128xf32, #tpu.memory_space<vmem>>) target(%dma_start3A_692 : memref<128xf32, #tpu.memory_space<vmem_shared>>) target_semaphore(%run_scoped3A : memref<!tpu.dma_semaphore, #tpu.memory_space<semaphore_mem>>)
          %dma_wait3A = tpu.memref_slice %arg10[%mul3A_691] : memref<1024xf32, #tpu.memory_space<vmem_shared>> -> memref<128xf32, #tpu.memory_space<vmem_shared>>
          %dma_wait3A_693 = tpu.memref_slice %arg10[%mul3A_691] : memref<1024xf32, #tpu.memory_space<vmem_shared>> -> memref<128xf32, #tpu.memory_space<vmem_shared>>
          tpu.wait_dma2 semaphore(%run_scoped3A : memref<!tpu.dma_semaphore, #tpu.memory_space<semaphore_mem>>) src(%arg8 : memref<128xf32, #tpu.memory_space<vmem>>) dst(%dma_wait3A_693 : memref<128xf32, #tpu.memory_space<vmem_shared>>)
          tpu.yield
        }) : () -> ()
      } else {
      }
      %barrier3A_19 = arith.constant 0 : index
      tpu.barrier barrier_id(%barrier3A_19)
      "tpu.region"() ({
        %run_scoped3A = tpu.sem_alloc : memref<!tpu.dma_semaphore, #tpu.memory_space<semaphore_mem>>
        tpu.enqueue_dma source(%arg10 : memref<1024xf32, #tpu.memory_space<vmem_shared>>) target(%arg5 : memref<1024xf32, #tpu.memory_space<vmem>>) target_semaphore(%run_scoped3A : memref<!tpu.dma_semaphore, #tpu.memory_space<semaphore_mem>>)
        tpu.wait_dma2 semaphore(%run_scoped3A : memref<!tpu.dma_semaphore, #tpu.memory_space<semaphore_mem>>) src(%arg10 : memref<1024xf32, #tpu.memory_space<vmem_shared>>) dst(%arg5 : memref<1024xf32, #tpu.memory_space<vmem>>)
        tpu.yield
      }) : () -> ()
      %broadcast_in_dim3A_20 = arith.constant 0.000000e+00 : f32
      %broadcast_in_dim3A_21 = vector.broadcast %broadcast_in_dim3A_20 : f32 to vector<16xf32>
      %scan3A_22 = arith.constant 0 : i32
      %scan3A_23 = arith.constant 64 : i32
      %scan3A_24 = arith.addi %scan3A_22, %scan3A_23 : i32
      %scan3A_25 = arith.constant 1 : i32
      %scan3A_26 = scf.for %scan3A_43 = %scan3A_22 to %scan3A_24 step %scan3A_25 iter_args(%scan3A_44 = %broadcast_in_dim3A_21) -> (vector<16xf32>)  : i32 {
        %mul3A_45 = arith.constant 16 : i32
        %mul3A_46 = arith.muli %scan3A_43, %mul3A_45 : i32
        %get3A = arith.index_cast %mul3A_46 : i32 to index
        %get3A_47 = tpu.vector_load %arg5[%get3A] {strides = array<i32>} : memref<1024xf32, #tpu.memory_space<vmem>>, vector<16xf32>,
        %iota3A = tpu.iota {dimensions = array<i32: 0>} : vector<16xi32>
        %mul3A_48 = arith.constant 16 : i32
        %mul3A_49 = arith.muli %scan3A_43, %mul3A_48 : i32
        %add3A = vector.broadcast %mul3A_49 : i32 to vector<16xi32>
        %add3A_50 = arith.addi %iota3A, %add3A : vector<16xi32>
        %gt3A_51 = arith.constant 0.000000e+00 : f32
        %gt3A_52 = vector.broadcast %gt3A_51 : f32 to vector<16xf32>
        %gt3A_53 = arith.cmpf ogt, %get3A_47, %gt3A_52 : vector<16xf32>
        %lt3A_54 = arith.constant 1000 : i32
        %lt3A_55 = vector.broadcast %lt3A_54 : i32 to vector<16xi32>
        %lt3A_56 = arith.cmpi slt, %add3A_50, %lt3A_55 : vector<16xi32>
        %and3A = arith.andi %gt3A_53, %lt3A_56 : vector<16xi1>
        %jit3A_57 = arith.constant 1.000000e+00 : f32
        %jit3A_58 = arith.constant 0.000000e+00 : f32
        %broadcast_in_dim3A_59 = vector.broadcast %jit3A_57 : f32 to vector<16xf32>
        %broadcast_in_dim3A_60 = vector.broadcast %jit3A_58 : f32 to vector<16xf32>
        %select_n3A_61 = arith.select %and3A, %broadcast_in_dim3A_59, %broadcast_in_dim3A_60 : vector<16xi1>, vector<16xf32>
        %add3A_62 = arith.addf %scan3A_44, %select_n3A_61 : vector<16xf32>
        scf.yield %add3A_62 : vector<16xf32>
      }
      %scan3A_27 = arith.constant 64 : i32
      %reduce_sum3A = arith.constant true
      %reduce_sum3A_28 = vector.broadcast %reduce_sum3A : i1 to vector<16xi1>
      %reduce_sum3A_29 = tpu.scan <sum>, %scan3A_26 masked %reduce_sum3A_28 : vector<16xf32>, vector<16xi1> -> vector<16xf32>
      %reduce_sum3A_30 = vector.extract %reduce_sum3A_29[15] : f32 from vector<16xf32>
      %broadcast_in_dim3A_31 = vector.broadcast %reduce_sum3A_30 : f32 to vector<16xf32>
      %gt3A = arith.constant 0.000000e+00 : f32
      %gt3A_32 = vector.broadcast %gt3A : f32 to vector<16xf32>
      %gt3A_33 = arith.cmpf ogt, %broadcast_in_dim3A_31, %gt3A_32 : vector<16xf32>
      %div3A = arith.constant 1.000000e+00 : f32
      %div3A_34 = vector.broadcast %div3A : f32 to vector<16xf32>
      %div3A_35 = arith.divf %div3A_34, %broadcast_in_dim3A_31 : vector<16xf32>
      %jit3A = arith.constant 0.000000e+00 : f32
      %broadcast_in_dim3A_36 = vector.broadcast %jit3A : f32 to vector<16xf32>
      %select_n3A = arith.select %gt3A_33, %div3A_35, %broadcast_in_dim3A_36 : vector<16xi1>, vector<16xf32>
      %scan3A_37 = arith.constant 0 : i32
      %scan3A_38 = arith.constant 0 : i32
      %scan3A_39 = arith.constant 64 : i32
      %scan3A_40 = arith.addi %scan3A_38, %scan3A_39 : i32
      %scan3A_41 = arith.constant 1 : i32
      scf.for %scan3A_43 = %scan3A_38 to %scan3A_40 step %scan3A_41  : i32 {
        %mul3A_44 = arith.constant 16 : i32
        %mul3A_45 = arith.muli %scan3A_43, %mul3A_44 : i32
        %get3A = arith.index_cast %mul3A_45 : i32 to index
        %get3A_46 = tpu.vector_load %arg4[%get3A] {strides = array<i32>} : memref<1024xi32, #tpu.memory_space<vmem>>, vector<16xi32>,
        %ge3A = arith.constant 0 : i32
        %ge3A_47 = vector.broadcast %ge3A : i32 to vector<16xi32>
        %ge3A_48 = arith.cmpi sge, %get3A_46, %ge3A_47 : vector<16xi32>
        %jit3A_49 = arith.constant 0 : i32
        %broadcast_in_dim3A_50 = vector.broadcast %jit3A_49 : i32 to vector<16xi32>
        %select_n3A_51 = arith.select %ge3A_48, %get3A_46, %broadcast_in_dim3A_50 : vector<16xi1>, vector<16xi32>
        %gather3A = tpu.vector_load_idx %arg5[%select_n3A_51] : memref<1024xf32, #tpu.memory_space<vmem>>[vector<16xi32>], vector<16xf32>,
        %div3A_52 = arith.divf %select_n3A, %gather3A : vector<16xf32>
        %jit3A_53 = arith.constant 0.000000e+00 : f32
        %broadcast_in_dim3A_54 = vector.broadcast %jit3A_53 : f32 to vector<16xf32>
        %select_n3A_55 = arith.select %ge3A_48, %div3A_52, %broadcast_in_dim3A_54 : vector<16xi1>, vector<16xf32>
        %mul3A_56 = arith.constant 16 : i32
        %mul3A_57 = arith.muli %scan3A_43, %mul3A_56 : i32
        %swap3A = arith.index_cast %mul3A_57 : i32 to index
        %swap3A_58 = tpu.vector_load %arg6[%swap3A] {strides = array<i32>} : memref<1024xf32, #tpu.memory_space<vmem>>, vector<16xf32>,
        tpu.vector_store %arg6[%swap3A], %select_n3A_55 {strides = array<i32>} : memref<1024xf32, #tpu.memory_space<vmem>>, vector<16xf32>,
      }
      %scan3A_42 = arith.constant 64 : i32
      "tpu.region"() ({
        %run_scoped3A = tpu.sem_alloc : memref<!tpu.dma_semaphore, #tpu.memory_space<semaphore_mem>>
        %dma_start3A = tpu.memref_slice %arg3[%mul3A_2] : memref<16384xf32, #tpu.memory_space<hbm>> -> memref<1024xf32, #tpu.memory_space<hbm>>
        %dma_start3A_43 = tpu.memref_slice %arg3[%mul3A_2] : memref<16384xf32, #tpu.memory_space<hbm>> -> memref<1024xf32, #tpu.memory_space<hbm>>
        tpu.enqueue_dma source(%arg6 : memref<1024xf32, #tpu.memory_space<vmem>>) target(%dma_start3A_43 : memref<1024xf32, #tpu.memory_space<hbm>>) target_semaphore(%run_scoped3A : memref<!tpu.dma_semaphore, #tpu.memory_space<semaphore_mem>>)
        %dma_wait3A = tpu.memref_slice %arg3[%mul3A_2] : memref<16384xf32, #tpu.memory_space<hbm>> -> memref<1024xf32, #tpu.memory_space<hbm>>
        %dma_wait3A_44 = tpu.memref_slice %arg3[%mul3A_2] : memref<16384xf32, #tpu.memory_space<hbm>> -> memref<1024xf32, #tpu.memory_space<hbm>>
        tpu.wait_dma2 semaphore(%run_scoped3A : memref<!tpu.dma_semaphore, #tpu.memory_space<semaphore_mem>>) src(%arg6 : memref<1024xf32, #tpu.memory_space<vmem>>) dst(%dma_wait3A_44 : memref<1024xf32, #tpu.memory_space<hbm>>)
        tpu.yield
      }) : () -> ()
    } else {
    }
    return
  }
}

module attributes {stable_mosaic.version = 14 : i64} {
  func.func @_tc_body(%arg0: i32, %arg1: memref<2048x1000xf32, #tpu.memory_space<vmem>>, %arg2: memref<2048x1xi32, #tpu.memory_space<vmem>>, %arg3: memref<2048x1xf32, #tpu.memory_space<vmem>>, %arg4: memref<1x1xf32, #tpu.memory_space<vmem>>) attributes {dimension_semantics = [#tpu.dimension_semantics<arbitrary>], iteration_bounds = array<i64: 8>, scalar_prefetch = 0 : i64, scratch_operands = 0 : i64, tpu.core_type = #tpu.core_type<tc>, window_params = [{transform_indices = @transform_0, window_bounds = array<i64: 2048, 1000>}, {transform_indices = @transform_1, window_bounds = array<i64: 2048, 1>}, {transform_indices = @transform_2, window_bounds = array<i64: 2048, 1>}, {pipeline_mode = #tpu.pipeline_mode<synchronous>, transform_indices = @transform_3, window_bounds = array<i64: 1, 1>}]} {
    %get3A = arith.constant 0 : index
    %get3A_0 = arith.constant 0 : index
    %get3A_1 = vector.load %arg1[%get3A, %get3A_0] : memref<2048x1000xf32, #tpu.memory_space<vmem>>, vector<2048x1000xf32>
    %reduce_max3A = arith.constant dense<0xFF800000> : vector<2048xf32>
    %reduce_max3A_2 = vector.multi_reduction <maximumf>, %get3A_1, %reduce_max3A [1] : vector<2048x1000xf32> to vector<2048xf32>
    %broadcast_in_dim3A = vector.shape_cast %reduce_max3A_2 : vector<2048xf32> to vector<2048x1xf32>
    %sub3A = vector.broadcast %broadcast_in_dim3A : vector<2048x1xf32> to vector<2048x1000xf32>
    %sub3A_3 = arith.subf %get3A_1, %sub3A : vector<2048x1000xf32>
    %exp3A = math.exp %sub3A_3 : vector<2048x1000xf32>
    %reduce_sum3A = arith.constant dense<0.000000e+00> : vector<2048xf32>
    %reduce_sum3A_4 = vector.multi_reduction <add>, %exp3A, %reduce_sum3A [1] : vector<2048x1000xf32> to vector<2048xf32>
    %broadcast_in_dim3A_5 = vector.shape_cast %reduce_sum3A_4 : vector<2048xf32> to vector<2048x1xf32>
    %log3A = math.log %broadcast_in_dim3A_5 : vector<2048x1xf32>
    %add3A = arith.addf %log3A, %broadcast_in_dim3A : vector<2048x1xf32>
    %get3A_6 = arith.constant 0 : index
    %get3A_7 = arith.constant 0 : index
    %get3A_8 = vector.load %arg2[%get3A_6, %get3A_7] : memref<2048x1xi32, #tpu.memory_space<vmem>>, vector<2048x1xi32>
    %iota3A = tpu.iota {dimensions = array<i32: 1>} : vector<2048x1000xi32>
    %eq3A = vector.broadcast %get3A_8 : vector<2048x1xi32> to vector<2048x1000xi32>
    %eq3A_9 = arith.cmpi eq, %iota3A, %eq3A : vector<2048x1000xi32>
    %jit3A = arith.constant 0.000000e+00 : f32
    %broadcast_in_dim3A_10 = vector.broadcast %jit3A : f32 to vector<2048x1000xf32>
    %select_n3A = arith.select %eq3A_9, %get3A_1, %broadcast_in_dim3A_10 : vector<2048x1000xi1>, vector<2048x1000xf32>
    %reduce_sum3A_11 = arith.constant dense<0.000000e+00> : vector<2048xf32>
    %reduce_sum3A_12 = vector.multi_reduction <add>, %select_n3A, %reduce_sum3A_11 [1] : vector<2048x1000xf32> to vector<2048xf32>
    %broadcast_in_dim3A_13 = vector.shape_cast %reduce_sum3A_12 : vector<2048xf32> to vector<2048x1xf32>
    %sub3A_14 = arith.subf %add3A, %broadcast_in_dim3A_13 : vector<2048x1xf32>
    %get3A_15 = arith.constant 0 : index
    %get3A_16 = arith.constant 0 : index
    %get3A_17 = vector.load %arg3[%get3A_15, %get3A_16] : memref<2048x1xf32, #tpu.memory_space<vmem>>, vector<2048x1xf32>
    %mul3A = arith.mulf %get3A_17, %sub3A_14 : vector<2048x1xf32>
    %reduce_sum3A_18 = vector.shape_cast %mul3A : vector<2048x1xf32> to vector<1x2048x1xf32>
    %reduce_sum3A_19 = arith.constant dense<0.000000e+00> : vector<1xf32>
    %reduce_sum3A_20 = vector.multi_reduction <add>, %reduce_sum3A_18, %reduce_sum3A_19 [1, 2] : vector<1x2048x1xf32> to vector<1xf32>
    %reduce_sum3A_21 = vector.shape_cast %reduce_sum3A_20 : vector<1xf32> to vector<1x1x1xf32>
    %reduce_sum3A_22 = vector.extract %reduce_sum3A_21[0, 0, 0] : f32 from vector<1x1x1xf32>
    %eq3A_23 = arith.constant 0 : i32
    %eq3A_24 = arith.cmpi eq, %arg0, %eq3A_23 : i32
    %convert_element_type3A = arith.extui %eq3A_24 : i1 to i32
    %cond3A = arith.constant 0 : i32
    %cond3A_25 = arith.cmpi ne, %convert_element_type3A, %cond3A : i32
    scf.if %cond3A_25 {
      %broadcast_in_dim3A_33 = arith.constant 0.000000e+00 : f32
      %broadcast_in_dim3A_34 = vector.broadcast %broadcast_in_dim3A_33 : f32 to vector<1x1xf32>
      %swap3A_35 = arith.constant 0 : index
      %swap3A_36 = arith.constant 0 : index
      %swap3A_37 = vector.load %arg4[%swap3A_35, %swap3A_36] : memref<1x1xf32, #tpu.memory_space<vmem>>, vector<1x1xf32>
      tpu.vector_store %arg4[%swap3A_35, %swap3A_36], %broadcast_in_dim3A_34 {strides = array<i32>} : memref<1x1xf32, #tpu.memory_space<vmem>>, vector<1x1xf32>,
    } else {
    }
    %get3A_26 = arith.constant 0 : index
    %get3A_27 = arith.constant 0 : index
    %get3A_28 = vector.load %arg4[%get3A_26, %get3A_27] : memref<1x1xf32, #tpu.memory_space<vmem>>, vector<1x1xf32>
    %broadcast_in_dim3A_29 = vector.broadcast %reduce_sum3A_22 : f32 to vector<1x1xf32>
    %add3A_30 = arith.addf %get3A_28, %broadcast_in_dim3A_29 : vector<1x1xf32>
    %swap3A = arith.constant 0 : index
    %swap3A_31 = arith.constant 0 : index
    %swap3A_32 = vector.load %arg4[%swap3A, %swap3A_31] : memref<1x1xf32, #tpu.memory_space<vmem>>, vector<1x1xf32>
    tpu.vector_store %arg4[%swap3A, %swap3A_31], %add3A_30 {strides = array<i32>} : memref<1x1xf32, #tpu.memory_space<vmem>>, vector<1x1xf32>,
    return
  }
  func.func @transform_0(%arg0: i32) -> (i32, i32) {
    %c0_i32 = arith.constant 0 : i32
    %c0_i32_0 = arith.constant 0 : i32
    return %arg0, %c0_i32 : i32, i32
  }
  func.func @transform_1(%arg0: i32) -> (i32, i32) {
    %c0_i32 = arith.constant 0 : i32
    %c0_i32_0 = arith.constant 0 : i32
    return %arg0, %c0_i32 : i32, i32
  }
  func.func @transform_2(%arg0: i32) -> (i32, i32) {
    %c0_i32 = arith.constant 0 : i32
    %c0_i32_0 = arith.constant 0 : i32
    return %arg0, %c0_i32 : i32, i32
  }
  func.func @transform_3(%arg0: i32) -> (i32, i32) {
    %c0_i32 = arith.constant 0 : i32
    %c0_i32_0 = arith.constant 0 : i32
    %c0_i32_1 = arith.constant 0 : i32
    return %c0_i32, %c0_i32_0 : i32, i32
  }
}

</mosaic_0001>

<sc_bundles>
// kernel: kernel.4.cloned.1.call-start
scs
__scs_entry_jumppad:
0x0: {  	(pc) =	sbr.rel $0x88, $3  }
0x1: {  	(tag) =	ssettag $0x0;
	lr =	simm.s32 $0x1  }
0x2: {  	[smem:$0x3F9F] =	sst lr;
	_ =	strace $0xD0000000  }
0x3: {  	_ = 	snop  }
0x4: {  	_ = 	snop  }
0x5: {  	_ = 	snop  }
0x6: {  	_ = 	snop  }
0x7: {  	_ = 	snop  }
__scs_overlays_trampoline_lowered:
0x8: {  	[smem:$0x3FAE] =	sst s0  }
0x9: {  	[smem:$0x3FAF] =	sst s1  }
0xa: {  	[smem:$0x3FB0] =	sst s2  }
0xb: {  	[smem:$0x3FB1] =	sst s3  }
0xc: {  	[smem:$0x3FB2] =	sst s4  }
0xd: {  	[smem:$0x3FB3] =	sst s5  }
0xe: {  	[smem:$0x3FB4] =	sst s6  }
0xf: {  	[smem:$0x3FB5] =	sst s7  }
0x10: {  	[smem:$0x3FB6] =	sst s8  }
0x11: {  	[smem:$0x3FB7] =	sst s9;
	s0 =	simm.s32 @!p0 $0x0  }
0x12: {  	s1 =	sld [smem:$0x3F9D];
	s0 =	simm.s32 @p0 $0x1  }
0x13: {  	[smem:$0x3FB8] =	sst s0;
	s0 =	simm.s32 @!p1 $0x0  }
0x14: {  	s2 =	sld [smem:$0x3F9C];
	s0 =	simm.s32 @p1 $0x1  }
0x15: {  	[smem:$0x3FB9] =	sst s0;
	s0 =	simm.s32 @!p2 $0x0  }
0x16: {  	s3 =	sld [smem:$0x3FDB];
	s0 =	simm.s32 @p2 $0x1  }
0x17: {  	s4 =	simm.s32 $0x1BF5;
	[smem:$0x3FBB] =	sst s0  }
0x18: {  	s0 =	sld [smem:$0x3F9E];
	_ =	swait.ge [sflag:s4], $0x0  }
0x19: {  	s7 =	sld [smem:$0x3F9F]  }
0x1a: {  	s8 =	sadd.s32 $0xFFFFE003, lr  }
0x1b: {  	s9 =	sadd.s32 $0xFFFFFEF7, lr;
	s5 =	simm.s32 $0xFFFFFFFF;
	p2 =	slt.u32 s8, $0xFFFFF086  }
0x1c: {  	p1 =	slt.u32 s9, $0xF7A;
	s5 =	simm.s32 @!p2 $0x0  }
0x1d: {  	s5 =	simm.s32 @p1 $0x1;
	p0 =	seq.s32 s7, s2  }
0x1e: {  	s7 =	smul.u32 @!p0 $0xF7A, s2;
	p2 =	seq.s32 @!p0 s5, $0x0  }
0x1f: {  	s9 =	smul.u32 $0xF7A, s1;
	s8 =	simm.s32 @!p0 $0x1BF5;
	p2 =	por !p2, p0  }
0x20: {  	[sflag:s8] =	ssyncset.s32 @!p0 $0xFFFFF086;
	s6 =	sadd.s32 @!p0 s3, s7;
	s7 =	simm.s32 @!p0 $0x108  }
0x21: {  	s3 =	sadd.s32 s3, s9;
	s6 =	sadd.s32 @!p0 $0x88, s6;
	s7 =	simm.s32 @p2 $0x1082  }
0x22: {  	[simem:s7], [sflag:s8] =	dma.local @!p0 [hbm:s6], $0xF7A  }
0x23: {  	s9 =	sor.u32 $0xD0000000, s2;
	s6 =	simm.s32 $0x108;
	_ =	swait.ge @!p0 [sflag:s8], $0x0  }
0x24: {  	s3 =	sadd.s32 $0x88, s3;
	s6 =	simm.s32 @!p1 $0x1082;
	[sflag:s4] =	ssyncset.s32 $0xFFFFF086  }
0x25: {  	[simem:s6], [sflag:s4] =	dma.local [hbm:s3], $0xF7A  }
0x26: {  	[smem:$0x3F9F] =	sst s1;
	(tag) =	ssettag s2;
	_ =	strace s9  }
0x27: {  	s1 =	sld [smem:$0x3FAF]  }
0x28: {  	s2 =	sld [smem:$0x3FB0]  }
0x29: {  	s4 =	sld [smem:$0x3FB2]  }
0x2a: {  	p0 =	seq.s32 s5, $0x0;
	s5 =	sld [smem:$0x3FB3]  }
0x2b: {  	s6 =	sld [smem:$0x3FB4]  }
0x2c: {  	s7 =	sld [smem:$0x3FB5]  }
0x2d: {  	s3 =	simm.s32 $0x108;
	s8 =	sld [smem:$0x3FB6]  }
0x2e: {  	s3 =	simm.s32 @!p0 $0x1082;
	s9 =	sld [smem:$0x3FB7]  }
0x2f: {  	lr =	sadd.s32 s0, s3;
	s0 =	sld [smem:$0x3FAE]  }
0x30: {  	s3 =	sld [smem:$0x3FB1]  }
0x31: {  	[smem:$0x3FBA] =	sst s10  }
0x32: {  	s10 =	sld [smem:$0x3FB8];
	_ =	sdelay $0x3  }
0x33: {  	p0 =	seq.s32 s10, $0x1;
	s10 =	sld [smem:$0x3FBA];
	_ =	sdelay $0x3  }
0x34: {  	[smem:$0x3FBA] =	sst s10  }
0x35: {  	s10 =	sld [smem:$0x3FB9];
	_ =	sdelay $0x3  }
0x36: {  	p1 =	seq.s32 s10, $0x1;
	s10 =	sld [smem:$0x3FBA];
	_ =	sdelay $0x3  }
0x37: {  	[smem:$0x3FBA] =	sst s10  }
0x38: {  	s10 =	sld [smem:$0x3FBB]  }
0x39: {  	_ = 	snop;
	(pc) =	sbr.ind lr, $3  }
0x3a: {  	_ = 	snop  }
0x3b: {  	_ = 	snop  }
0x3c: {  	p2 =	seq.s32 s10, $0x1;
	s10 =	sld [smem:$0x3FBA]  }
0x3d: {  	_ =	shalt  }
0x3e: {  	_ =	shalt  }
0x3f: {  	_ =	shalt  }
0x40: {  	_ =	shalt  }
0x41: {  	_ =	shalt  }
0x42: {  	_ =	shalt  }
0x43: {  	_ =	shalt  }
0x44: {  	_ =	shalt  }
0x45: {  	_ =	shalt  }
0x46: {  	_ =	shalt  }
0x47: {  	_ =	shalt  }
0x48: {  	_ =	shalt  }
0x49: {  	_ =	shalt  }
0x4a: {  	_ =	shalt  }
0x4b: {  	_ =	shalt  }
0x4c: {  	_ =	shalt  }
0x4d: {  	_ =	shalt  }
0x4e: {  	_ =	shalt  }
0x4f: {  	_ =	shalt  }
0x50: {  	_ =	shalt  }
0x51: {  	_ =	shalt  }
0x52: {  	_ =	shalt  }
0x53: {  	_ =	shalt  }
0x54: {  	_ =	shalt  }
0x55: {  	_ =	shalt  }
0x56: {  	_ =	shalt  }
0x57: {  	_ =	shalt  }
0x58: {  	_ =	shalt  }
0x59: {  	_ =	shalt  }
0x5a: {  	_ =	shalt  }
0x5b: {  	_ =	shalt  }
0x5c: {  	_ =	shalt  }
0x5d: {  	_ =	shalt  }
0x5e: {  	_ =	shalt  }
0x5f: {  	_ =	shalt  }
0x60: {  	_ =	shalt  }
0x61: {  	_ =	shalt  }
0x62: {  	_ =	shalt  }
0x63: {  	_ =	shalt  }
0x64: {  	_ =	shalt  }
0x65: {  	_ =	shalt  }
0x66: {  	_ =	shalt  }
0x67: {  	_ =	shalt  }
0x68: {  	_ =	shalt  }
0x69: {  	_ =	shalt  }
0x6a: {  	_ =	shalt  }
0x6b: {  	_ =	shalt  }
0x6c: {  	_ =	shalt  }
0x6d: {  	_ =	shalt  }
0x6e: {  	_ =	shalt  }
0x6f: {  	_ =	shalt  }
0x70: {  	_ =	shalt  }
0x71: {  	_ =	shalt  }
0x72: {  	_ =	shalt  }
0x73: {  	_ =	shalt  }
0x74: {  	_ =	shalt  }
0x75: {  	_ =	shalt  }
0x76: {  	_ =	shalt  }
0x77: {  	_ =	shalt  }
0x78: {  	_ =	shalt  }
0x79: {  	_ =	shalt  }
0x7a: {  	_ =	shalt  }
0x7b: {  	_ =	shalt  }
0x7c: {  	_ =	shalt  }
0x7d: {  	_ =	shalt  }
0x7e: {  	_ =	shalt  }
0x7f: {  	_ =	shalt  }
0x80: {  	_ =	shalt  }
0x81: {  	_ =	shalt  }
0x82: {  	_ =	shalt  }
0x83: {  	_ =	shalt  }
0x84: {  	_ =	shalt  }
0x85: {  	_ =	shalt  }
0x86: {  	_ =	shalt  }
0x87: {  	_ =	shalt  }
.Lfunc_end0:
.L_simem_size_0:
called_computation_lowered:
.L_overlay_start_0:
0x88: {  	s2 =	sld [smem:$0x3FD9]  }
0x89: {  	s3 =	sld [smem:$0x3FFE];
	_ =	sdelay $0x1  }
0x8a: {  	s1 =	srdreg.scid  }
0x8b: {  	s0 =	sand.u32 $0x1, s1  }
0x8c: {  	s17 =	sshll.u32 s0, $0xA;
	s2 =	sadd.s32 s3, s2  }
0x8d: {  	s2 =	sadd.s32 s2, s17  }
0x8e: {  	[smem:$0x3FC6] =	sst s2  }
0x8f: {  	_ = 	snop  }
0x90: {  	s2 =	sld [smem:$0x3FC8];
	(tm) =	ssettm $0x1  }
0x91: {  	s18 =	sld [smem:$0x3FFB];
	_ =	sdelay $0x3  }
0x92: {  	_ =	strace s18  }
0x93: {  	s3 =	sld [smem:$0x3FFC];
	_ =	sdelay $0x3  }
0x94: {  	_ =	strace s3  }
0x95: {  	s3 =	sld [smem:$0x3FFD];
	_ =	sdelay $0x3  }
0x96: {  	_ =	strace s3  }
0x97: {  	_ =	strace $0x8FFFFFFF  }
0x98: {  	s19 =	sld [smem:$0x3FDB];
	_ =	sdelay $0x1  }
0x99: {  	s4 =	simm.s32 $_scs_section_size  }
0x9a: {  	s5 =	simm.s32 $_size__tile_overlayer_lowered;
	s6 =	simm.s32 $_tile_overlayer_lowered  }
0x9b: {  	s22 =	simm.s32 $0x1BFF;
	s21 =	sshll.u32 s6, $0x1;
	s3 =	sadd.s32 s4, s19  }
0x9c: {  	s7 =	simm.s32 $0x0;
	s20 =	sshll.u32 s5, $0x1;
	s5 =	sadd.s32 s21, s3  }
0x9d: {  	[timem:s7], [sflag:s22] =	dma.local [hbm:s5], s20  }
0x9e: {  	_ =	swait.ge [sflag:s22], s20  }
0x9f: {  	s4 =	ssub.s32 $0x0, s20;
	[sflag:s22] =	ssyncset.done $0x0  }
0xa0: {  	[sflag:s22] =	ssyncadd.s32 s4;
	_ =	sdelay $0x1  }
0xa1: {  	s23 =	simm.s32 $0x1B8B  }
0xa2: {  	_ =	swait.ge [sflag:s23], $0x1  }
0xa3: {  	[sflag:s23] =	ssyncset.done $0x0  }
0xa4: {  	s25 =	simm.s32 $0x1B8E;
	s24 =	sld [smem:$0x3FFE];
	[sflag:s23] =	ssyncadd.s32 $0xFFFFFFFF  }
0xa5: {  	s26 =	simm.s32 $execute0_lowered;
	[smem:$0x3FD2] =	sst s25  }
0xa6: {  	s5 =	sshll.u32 s26, $0x1;
	_ =	strace $0x80000046;
	[dreg:$0x1] =	wrdreg $0xFFFFFFFF  }
0xa7: {  	s28 =	simm.s32 $_size_execute0_lowered;
	s3 =	sadd.s32 s3, s5;
	[dreg:$0x0] =	wrdreg $0x0  }
0xa8: {  	s5 =	sshll.u32 s28, $0x1;
	[dreg:$0x2] =	wrdreg s3  }
0xa9: {  	[dreg:$0x3] =	wrdreg s5  }
0xaa: {  	[dreg:$0x4] =	wrdreg $0xC0  }
0xab: {  	_ =	task [dreg:s7], $0x5FFFF  }
0xac: {  	[dreg:$0x1] =	wrdreg $0xFFFFFFFF  }
0xad: {  	[dreg:$0x0] =	wrdreg $0x60  }
0xae: {  	[dreg:$0x2] =	wrdreg s2  }
0xaf: {  	[dreg:$0x3] =	wrdreg s24  }
0xb0: {  	[dreg:$0x4] =	wrdreg $0x14800  }
0xb1: {  	[dreg:$0x5] =	wrdreg $0x18800  }
0xb2: {  	[dreg:$0x6] =	wrdreg $0x9  }
0xb3: {  	_ =	task.clear_ibuf [dreg:s7], $0x7FFFF;
	_ =	strace $0x90000046  }
0xb4: {  	s29 =	simm.s32 $0x9;
	_ =	strace $0x80000048  }
0xb5: {  	_ =	swait.ge [sflag:s29], $0x1  }
0xb6: {  	[sflag:s29] =	ssyncadd.s32 $0xFFFFFFFF  }
0xb7: {  	_ =	strace $0x90000048  }
0xb8: {  	_ =	sfence  }
0xb9: {  	s30 =	sld [smem:$0x0];
	_ =	sdelay $0x2  }
0xba: {  	s31 =	sshll.u32 s1, $0xD;
	s1 =	sshrl.u32 s1, $0x2  }
0xbb: {  	s3 =	sand.u32 $0x4000, s31;
	s1 =	sadd.s32 s1, s30  }
0xbc: {  	s0 =	sor.u32 s3, s0;
	s1 =	sshll.u32 s1, $0x11  }
0xbd: {  	s0 =	sor.u32 s1, s0  }
0xbe: {  	s0 =	sadd.s32 $0x8F2B, s0  }
0xbf: {  	[sflag:s0] =	ssyncadd.remote.s32 $0x1  }
0xc0: {  	_ =	sfence.sel $0xFFFF  }
0xc1: {  	[dreg:$0x0] =	wrdreg $0xFFFFFFFF;
	(pc) =	sbr.abs _section_cstart, $3  }
0xc2: {  	[dreg:$0x1] =	wrdreg $0xFFFFFFFF  }
0xc3: {  	_ =	task.clear_ibuf [dreg:s7], $0x2FFFF;
	_ =	strace $0x9FFFFFFF  }
0xc4: {  	(tm) =	ssettm $0x7FFFFFFF  }
0xc5: {  	_ =	shalt  }
tec
execute0_lowered:
.L_overlay_start_1:
0x0: {  	(tag) =	ssettag $0x1  }
0x1: {  	s1 =	srdreg.scid  }
0x2: {  	s1 =	sand.u32 $0x1, s1  }
0x3: {  	s6 =	rddreg [dreg:$0x0];
	p0 =	seq.s32 s1, $0x1  }
.Ltmp0:
0x4: {  	s4 =	rddreg [dreg:$0x1];
	(pc) =	sbr.rel @p0 .LBB2_12-.Ltmp0, $4  }
0x5: {  	s2 =	rddreg [dreg:$0x2]  }
0x6: {  	s3 =	rddreg [dreg:$0x3];
	s5 =	simm.s32 $0x0  }
0x7: {  	[smem:$0x7FF] =	sst s5  }
0x8: {  	s0 =	rddreg [dreg:$0x4];
	_ =	strace $0x80000047;
	s1 =	stileid.u32  }
0x9: {  	s8 =	sshll.u32 s1, $0x7;
	s7 =	sshll.u32 s1, $0xA;
	s10 =	simm.s32 $0x1  }
0xa: {  	s6 =	sadd.s32 s6, s8;
	s9 =	sadd.s32 s8, s4;
	s30 =	sand.u32 $0x2000, s7  }
0xb: {  	[tilespmem:s5], [sflag:$0x1] =	stream.linear.gather [hbm4b:s6+s5], $0x400, $0x38;
	[tilespmem:$0x18C0] =	vst v63  }
0xc: {  	s31 =	sand.u32 $0x380, s8;
	s7 =	sadd.s32 s7, s2;
	_ =	swait.ge [sflag:s10], $0x400  }
0xd: {  	s4 =	sadd.s32 s30, s2;
	s2 =	sadd.s32 $0x400, s9;
	[sflag:s10] =	ssyncset.done $0x0  }
0xe: {  	v0 =	vimm.f32 $0.0e+00;
	s6 =	sadd.s32 s31, s4;
	s4 =	sadd.s32 s8, s3;
	[sflag:s10] =	ssyncadd.s32 $0xFFFFFC00  }
.LBB2_2:
0xf: {  	p0 =	sne.s32 s5, $0xFC0  }
.Ltmp1:
0x10: {  	_ = 	snop;
	(pc) =	sbr.rel @p0 .LBB2_2-.Ltmp1, $3  }
0x11: {  	_ =	sdelay $0x1  }
0x12: {  	s8 =	sshra.s32 s5, $0x2  }
0x13: {  	s5 =	sadd.s32 $0x40, s5;
	[tilespmem:s8+$0x400] =	vst v0  }
0x14: {  	v0 =	vimm.f32 $1.000000000e+00;
	s5 =	simm.s32 $0x400;
	s9 =	simm.s32 $0x0;
	s8 =	simm.s32 $0x40  }
.LBB2_4:
0x15: {  	p0 =	sne.s32 s8, $0xFC0;
	v1 =	vld [tilespmem:s9+$0x0];
	_ =	sdelay $0x4  }
0x16: {  	vm0 =	vgt.s32 v1, $0xFFFFFFFF  }
0x17: {  	v1 =	vnsel vm0, $0x3F8, v1  }
.Ltmp2:
0x18: {  	(pc) =	sbr.rel @p0 .LBB2_4-.Ltmp2, $2  }
0x19: {  	_ =	sdelay $0x2  }
0x1a: {  	s9 =	sshra.s32 s8, $0x2;
	s8 =	sadd.s32 $0x40, s8;
	[tilespmem:v1+s5+$0x0] =	vst.idx.add.f32.msk vm0, v0  }
0x1b: {  	v1 =	vld [tilespmem:s9+$0x0];
	_ =	sdelay $0x4  }
0x1c: {  	vm0 =	vgt.s32 v1, $0xFFFFFFFF  }
0x1d: {  	v1 =	vnsel vm0, $0x3F8, v1;
	_ =	sdelay $0x4  }
0x1e: {  	s8 =	simm.s32 $0x80;
	[tilespmem:v1+s5+$0x0] =	vst.idx.add.f32.msk vm0, v0;
	s5 =	simm.s32 $0x400  }
0x1f: {  	[spmem:s6] =	stream.strided.scatter [tilespmem:s5], [sflag:$0x1], $0x400, s5, s8, $0x38;
	[tilespmem:$0x18C0] =	vst v63  }
0x20: {  	p0 =	sgt.u32 s1, $0x7;
	s6 =	simm.s32 $0x1  }
.Ltmp3:
0x21: {  	_ =	swait.ge [sflag:s6], $0x400;
	(pc) =	sbr.rel @p0 .LBB2_7-.Ltmp3, $3  }
0x22: {  	[sflag:s6] =	ssyncset.done $0x0  }
0x23: {  	[sflag:s6] =	ssyncadd.s32 $0xFFFFFC00  }
0x24: {  	[bflag:$0x0] =	sbarrier.arrive $0xFFFF;
	_ =	sdelay $0x1  }
0x25: {  	s8 =	simm.s32 $0x2000;
	s9 =	simm.s32 $0xC00  }
0x26: {  	[tilespmem:s9], [sflag:$0x1] =	stream.strided.gather [spmem:s7], $0x800, s8, s5, $0x38;
	[tilespmem:$0x18C0] =	vst v63  }
0x27: {  	_ =	swait.ge [sflag:s6], $0x800  }
0x28: {  	[sflag:s6] =	ssyncset.done $0x0  }
0x29: {  	[sflag:s6] =	ssyncadd.s32 $0xFFFFF800  }
0x2a: {  	v0 =	vld [tilespmem:$0xC00]  }
0x2b: {  	v1 =	vld [tilespmem:$0xC80]  }
0x2c: {  	v2 =	vld [tilespmem:$0xD00]  }
0x2d: {  	v3 =	vld [tilespmem:$0xD80]  }
0x2e: {  	v9 =	vld [tilespmem:$0xE00]  }
0x2f: {  	v10 =	vld [tilespmem:$0xE80]  }
0x30: {  	v11 =	vld [tilespmem:$0xF00]  }
0x31: {  	v12 =	vld [tilespmem:$0xF80]  }
0x32: {  	v14 =	vld [tilespmem:$0x1000]  }
0x33: {  	v16 =	vld [tilespmem:$0x1080]  }
0x34: {  	v18 =	vld [tilespmem:$0x1100]  }
0x35: {  	v4 =	vld [tilespmem:$0x1180]  }
0x36: {  	v44 =	vld [tilespmem:$0x1200]  }
0x37: {  	v45 =	vld [tilespmem:$0x1280]  }
0x38: {  	v46 =	vld [tilespmem:$0x1300]  }
0x39: {  	v47 =	vld [tilespmem:$0x1380]  }
0x3a: {  	v5 =	vld [tilespmem:$0xC10]  }
0x3b: {  	v7 =	vld [tilespmem:$0xC90]  }
0x3c: {  	v19 =	vld [tilespmem:$0xD10]  }
0x3d: {  	v20 =	vld [tilespmem:$0xD90]  }
0x3e: {  	v21 =	vld [tilespmem:$0xE10]  }
0x3f: {  	v22 =	vld [tilespmem:$0xE90]  }
0x40: {  	v23 =	vld [tilespmem:$0xF10]  }
0x41: {  	v24 =	vld [tilespmem:$0xF90]  }
0x42: {  	v25 =	vld [tilespmem:$0x1010]  }
0x43: {  	v26 =	vld [tilespmem:$0x1090]  }
0x44: {  	v27 =	vld [tilespmem:$0x1110]  }
0x45: {  	v28 =	vld [tilespmem:$0x1190]  }
0x46: {  	v29 =	vld [tilespmem:$0x1210]  }
0x47: {  	v31 =	vld [tilespmem:$0x1290]  }
0x48: {  	v48 =	vld [tilespmem:$0x1310]  }
0x49: {  	v49 =	vld [tilespmem:$0x1390]  }
0x4a: {  	v8 =	vld [tilespmem:$0xC20]  }
0x4b: {  	v33 =	vld [tilespmem:$0xCA0]  }
0x4c: {  	v34 =	vld [tilespmem:$0xD20]  }
0x4d: {  	v35 =	vld [tilespmem:$0xDA0]  }
0x4e: {  	v36 =	vld [tilespmem:$0xE20]  }
0x4f: {  	v37 =	vld [tilespmem:$0xEA0]  }
0x50: {  	v38 =	vld [tilespmem:$0xF20]  }
0x51: {  	v39 =	vld [tilespmem:$0xFA0]  }
0x52: {  	v40 =	vld [tilespmem:$0x1020]  }
0x53: {  	v41 =	vld [tilespmem:$0x10A0]  }
0x54: {  	v42 =	vld [tilespmem:$0x1120]  }
0x55: {  	v43 =	vld [tilespmem:$0x11A0]  }
0x56: {  	v50 =	vld [tilespmem:$0xD30]  }
0x57: {  	v51 =	vld [tilespmem:$0xDB0]  }
0x58: {  	v52 =	vld [tilespmem:$0xE30]  }
0x59: {  	v53 =	vld [tilespmem:$0xEB0]  }
0x5a: {  	v54 =	vld [tilespmem:$0xF30]  }
0x5b: {  	v55 =	vld [tilespmem:$0xFB0]  }
0x5c: {  	v56 =	vld [tilespmem:$0x1030]  }
0x5d: {  	v57 =	vld [tilespmem:$0x10B0]  }
0x5e: {  	v58 =	vld [tilespmem:$0x1130]  }
0x5f: {  	v59 =	vld [tilespmem:$0x11B0]  }
0x60: {  	v60 =	vld [tilespmem:$0x1230]  }
0x61: {  	v61 =	vld [tilespmem:$0x12B0]  }
0x62: {  	v62 =	vld [tilespmem:$0x1330]  }
0x63: {  	v63 =	vld [tilespmem:$0x13B0]  }
0x64: {  	v6 =	vld [tilespmem:$0xC40]  }
0x65: {  	v13 =	vld [tilespmem:$0xD40]  }
0x66: {  	v15 =	vld [tilespmem:$0xDC0]  }
0x67: {  	v17 =	vld [tilespmem:$0xE40]  }
0x68: {  	v30 =	vld [tilespmem:$0xEC0]  }
0x69: {  	v32 =	vld [tilespmem:$0xF40]  }
0x6a: {  	[tilespmem:$0x1FF90] =	vst v44;
	v44 =	vld [tilespmem:$0x1220]  }
0x6b: {  	[tilespmem:$0x1FFA0] =	vst v45;
	v45 =	vld [tilespmem:$0x12A0]  }
0x6c: {  	[tilespmem:$0x1FFB0] =	vst v46;
	v46 =	vld [tilespmem:$0x1320]  }
0x6d: {  	[tilespmem:$0x1FFD0] =	vst v47;
	v47 =	vld [tilespmem:$0x13A0]  }
0x6e: {  	[tilespmem:$0x1FFC0] =	vst v48;
	v48 =	vld [tilespmem:$0xC30]  }
0x6f: {  	[tilespmem:$0x1FFE0] =	vst v49;
	v49 =	vld [tilespmem:$0xCB0]  }
0x70: {  	[tilespmem:$0x1FF80] =	vst v4;
	v4 =	vld [tilespmem:$0xCC0]  }
0x71: {  	v0 =	vadd.f32 v1, v0;
	v1 =	vld [tilespmem:$0xFC0]  }
0x72: {  	v5 =	vadd.f32 v7, v5;
	v7 =	vld [tilespmem:$0x1040]  }
0x73: {  	[tilespmem:$0x1FFF0] =	vst v32;
	v32 =	vld [tilespmem:$0x11D0]  }
0x74: {  	v0 =	vadd.f32 v2, v0;
	v2 =	vadd.f32 v33, v8;
	v8 =	vld [tilespmem:$0x10C0]  }
0x75: {  	v33 =	vadd.f32 v19, v5;
	v19 =	vld [tilespmem:$0x1140]  }
0x76: {  	v5 =	vld [tilespmem:$0x11C0]  }
0x77: {  	v0 =	vadd.f32 v3, v0;
	v3 =	vld [tilespmem:$0x1240]  }
0x78: {  	v2 =	vadd.f32 v34, v2;
	v20 =	vadd.f32 v20, v33;
	v33 =	vld [tilespmem:$0xCD0]  }
0x79: {  	v48 =	vadd.f32 v49, v48;
	v49 =	vld [tilespmem:$0x1FFC0]  }
0x7a: {  	v34 =	vadd.f32 v35, v2;
	v2 =	vld [tilespmem:$0x12C0]  }
0x7b: {  	v0 =	vadd.f32 v9, v0;
	v9 =	vld [tilespmem:$0x1340]  }
0x7c: {  	v35 =	vld [tilespmem:$0x13D0]  }
0x7d: {  	v20 =	vadd.f32 v21, v20;
	v50 =	vadd.f32 v50, v48;
	v48 =	vld [tilespmem:$0xCE0]  }
0x7e: {  	v10 =	vadd.f32 v10, v0;
	v0 =	vld [tilespmem:$0x13C0]  }
0x7f: {  	v4 =	vadd.f32 v4, v6;
	v20 =	vadd.f32 v22, v20;
	v22 =	vld [tilespmem:$0xC50]  }
0x80: {  	v36 =	vadd.f32 v36, v34;
	v34 =	vld [tilespmem:$0x12D0]  }
0x81: {  	v4 =	vadd.f32 v13, v4;
	v51 =	vadd.f32 v51, v50;
	v50 =	vld [tilespmem:$0xC70]  }
0x82: {  	v20 =	vadd.f32 v23, v20;
	v23 =	vld [tilespmem:$0xD50]  }
0x83: {  	v4 =	vadd.f32 v15, v4;
	v37 =	vadd.f32 v37, v36;
	v36 =	vld [tilespmem:$0xF70]  }
0x84: {  	v10 =	vadd.f32 v11, v10;
	v21 =	vadd.f32 v52, v51;
	v51 =	vld [tilespmem:$0x1FFD0]  }
0x85: {  	v52 =	vld [tilespmem:$0xCF0]  }
0x86: {  	v4 =	vadd.f32 v17, v4;
	v10 =	vadd.f32 v12, v10;
	v12 =	vld [tilespmem:$0xDD0]  }
0x87: {  	v11 =	vadd.f32 v38, v37;
	v20 =	vadd.f32 v24, v20;
	v24 =	vld [tilespmem:$0xE50]  }
0x88: {  	v37 =	vld [tilespmem:$0xFE0];
	v21 =	vadd.f32 v53, v21;
	v22 =	vadd.f32 v33, v22  }
0x89: {  	v38 =	vld [tilespmem:$0x1FFF0];
	v4 =	vadd.f32 v30, v4;
	v10 =	vadd.f32 v14, v10  }
0x8a: {  	v53 =	vld [tilespmem:$0x1FFE0];
	v11 =	vadd.f32 v39, v11;
	v20 =	vadd.f32 v25, v20  }
0x8b: {  	v33 =	vld [tilespmem:$0xF60];
	v21 =	vadd.f32 v54, v21;
	v22 =	vadd.f32 v23, v22  }
0x8c: {  	v14 =	vld [tilespmem:$0xED0];
	v10 =	vadd.f32 v16, v10;
	v11 =	vadd.f32 v40, v11  }
0x8d: {  	v25 =	vld [tilespmem:$0xF50];
	v20 =	vadd.f32 v26, v20;
	v21 =	vadd.f32 v55, v21  }
0x8e: {  	v39 =	vld [tilespmem:$0xFF0];
	v12 =	vadd.f32 v12, v22;
	v4 =	vadd.f32 v38, v4  }
0x8f: {  	v40 =	vld [tilespmem:$0x1FF80];
	v10 =	vadd.f32 v18, v10;
	v21 =	vadd.f32 v56, v21  }
0x90: {  	v54 =	vld [tilespmem:$0xD60];
	v11 =	vadd.f32 v41, v11;
	v20 =	vadd.f32 v27, v20  }
0x91: {  	v16 =	vld [tilespmem:$0xFD0];
	v12 =	vadd.f32 v24, v12;
	v21 =	vadd.f32 v57, v21  }
0x92: {  	v41 =	vld [tilespmem:$0x1FF90];
	v1 =	vadd.f32 v1, v4;
	v11 =	vadd.f32 v42, v11  }
0x93: {  	v26 =	vld [tilespmem:$0x1050];
	v20 =	vadd.f32 v28, v20;
	v21 =	vadd.f32 v58, v21  }
0x94: {  	v10 =	vadd.f32 v40, v10;
	v11 =	vadd.f32 v43, v11;
	v43 =	vld [tilespmem:$0xC60]  }
0x95: {  	v55 =	vld [tilespmem:$0xD70];
	v12 =	vadd.f32 v14, v12;
	v21 =	vadd.f32 v59, v21  }
0x96: {  	v18 =	vld [tilespmem:$0x10D0];
	v1 =	vadd.f32 v7, v1;
	v20 =	vadd.f32 v29, v20  }
0x97: {  	v56 =	vld [tilespmem:$0xDE0];
	v10 =	vadd.f32 v41, v10;
	v21 =	vadd.f32 v60, v21  }
0x98: {  	v42 =	vld [tilespmem:$0x1FFA0];
	v12 =	vadd.f32 v25, v12;
	v1 =	vadd.f32 v8, v1  }
0x99: {  	v58 =	vld [tilespmem:$0xDF0];
	v57 =	vadd.f32 v48, v43;
	v21 =	vadd.f32 v61, v21  }
0x9a: {  	v11 =	vadd.f32 v44, v11;
	v59 =	vadd.f32 v52, v50;
	v60 =	vld [tilespmem:$0xE60]  }
0x9b: {  	v13 =	vadd.f32 v54, v57;
	v61 =	vld [tilespmem:$0xE70];
	v21 =	vadd.f32 v62, v21  }
0x9c: {  	v20 =	vadd.f32 v31, v20;
	v6 =	vadd.f32 v55, v59;
	v62 =	vld [tilespmem:$0xEE0]  }
0x9d: {  	v13 =	vadd.f32 v56, v13;
	v21 =	vadd.f32 v63, v21;
	v63 =	vld [tilespmem:$0xEF0]  }
0x9e: {  	v27 =	vld [tilespmem:$0x1150];
	v10 =	vadd.f32 v42, v10;
	v6 =	vadd.f32 v58, v6  }
0x9f: {  	v28 =	vld [tilespmem:$0x1250];
	v12 =	vadd.f32 v16, v12;
	v13 =	vadd.f32 v60, v13  }
0xa0: {  	v44 =	vld [tilespmem:$0x1FFB0];
	v1 =	vadd.f32 v19, v1;
	v6 =	vadd.f32 v61, v6  }
0xa1: {  	v40 =	vld [tilespmem:$0x1060];
	v11 =	vadd.f32 v45, v11;
	v13 =	vadd.f32 v62, v13  }
0xa2: {  	v29 =	vld [tilespmem:$0x1350];
	v20 =	vadd.f32 v49, v20;
	v6 =	vadd.f32 v63, v6  }
0xa3: {  	v42 =	vld [tilespmem:$0x1070];
	v12 =	vadd.f32 v26, v12;
	v41 =	vadd.f32 v33, v13  }
0xa4: {  	v43 =	vld [tilespmem:$0x10E0];
	v1 =	vadd.f32 v5, v1;
	v6 =	vadd.f32 v36, v6  }
0xa5: {  	v10 =	vadd.f32 v44, v10;
	v44 =	vld [tilespmem:$0x10F0];
	v4 =	vadd.f32 v37, v41  }
0xa6: {  	v45 =	vld [tilespmem:$0x1160];
	v11 =	vadd.f32 v46, v11;
	v6 =	vadd.f32 v39, v6  }
0xa7: {  	v46 =	vld [tilespmem:$0x1170];
	v12 =	vadd.f32 v18, v12;
	v4 =	vadd.f32 v40, v4  }
0xa8: {  	v11 =	vadd.f32 v47, v11;
	v47 =	vld [tilespmem:$0x11E0];
	v6 =	vadd.f32 v42, v6  }
0xa9: {  	v48 =	vld [tilespmem:$0x11F0];
	v20 =	vadd.f32 v53, v20;
	v4 =	vadd.f32 v43, v4  }
0xaa: {  	v49 =	vld [tilespmem:$0x1260];
	v12 =	vadd.f32 v27, v12;
	v6 =	vadd.f32 v44, v6  }
0xab: {  	v50 =	vld [tilespmem:$0x1270];
	v10 =	vadd.f32 v51, v10;
	v4 =	vadd.f32 v45, v4  }
0xac: {  	v51 =	vld [tilespmem:$0x12E0];
	v12 =	vadd.f32 v32, v12;
	v6 =	vadd.f32 v46, v6  }
0xad: {  	v53 =	vld [tilespmem:$0x12F0];
	v1 =	vadd.f32 v3, v1;
	v52 =	vadd.f32 v47, v4  }
0xae: {  	v54 =	vld [tilespmem:$0x1360];
	v12 =	vadd.f32 v28, v12;
	v6 =	vadd.f32 v48, v6  }
0xaf: {  	v1 =	vadd.f32 v2, v1;
	v56 =	vld [tilespmem:$0x1370];
	v55 =	vadd.f32 v49, v52  }
0xb0: {  	v58 =	vld [tilespmem:$0x13E0];
	v57 =	vadd.f32 v34, v12;
	v5 =	vadd.f32 v50, v6  }
0xb1: {  	v59 =	vld [tilespmem:$0x13F0];
	[tilespmem:$0x1410] =	vst v20;
	v1 =	vadd.f32 v9, v1;
	v2 =	vadd.f32 v51, v55  }
0xb2: {  	[tilespmem:$0x1420] =	vst v11;
	v7 =	vadd.f32 v29, v57;
	v4 =	vadd.f32 v53, v5  }
0xb3: {  	[tilespmem:$0x1400] =	vst v10;
	v0 =	vadd.f32 v0, v1;
	v60 =	vadd.f32 v54, v2  }
0xb4: {  	[tilespmem:$0x1430] =	vst v21;
	v61 =	vadd.f32 v35, v7;
	v3 =	vadd.f32 v56, v4  }
0xb5: {  	[tilespmem:$0x1440] =	vst v0;
	v62 =	vadd.f32 v58, v60  }
0xb6: {  	[tilespmem:$0x1450] =	vst v61;
	v63 =	vadd.f32 v59, v3  }
0xb7: {  	[tilespmem:$0x1460] =	vst v62  }
0xb8: {  	s31 =	simm.s32 $0x1400;
	[tilespmem:$0x1470] =	vst v63  }
0xb9: {  	[spmem:s4] =	stream.linear.scatter [tilespmem:s31], [sflag:$0x1], $0x80, $0x38;
	[tilespmem:$0x18C0] =	vst v63  }
0xba: {  	_ =	swait.ge [sflag:s6], $0x80  }
0xbb: {  	[sflag:s6] =	ssyncset.done $0x0  }
0xbc: {  	[sflag:s6] =	ssyncadd.s32 $0xFFFFFF80  }
.LBB2_7:
0xbd: {  	[bflag:$0x0] =	sbarrier.arrive $0xFFFF  }
0xbe: {  	[tilespmem:s5], [sflag:$0x1] =	stream.linear.gather [spmem:s3], $0x400, $0x38;
	[tilespmem:$0x18C0] =	vst v63  }
0xbf: {  	_ =	swait.ge [sflag:s6], $0x400  }
0xc0: {  	[sflag:s6] =	ssyncset.done $0x0  }
0xc1: {  	[sflag:s6] =	ssyncadd.s32 $0xFFFFFC00  }
0xc2: {  	v2 =	vld [tilespmem:s5+$0x0]  }
0xc3: {  	v0 =	vlaneseq.u32  }
0xc4: {  	v1 =	vmul.u32 $0xFFFFFFFF, v0  }
0xc5: {  	s31 =	simm.s32 $0x0  }
0xc6: {  	v0 =	vimm.f32 $0.0e+00;
	v3 =	vmov s31;
	v1 =	vadd.s32 $0x3E8, v1  }
0xc7: {  	s4 =	simm.s32 $0x410;
	s3 =	simm.s32 $0x10;
	vm1 =	vlt.u32 v3, v1;
	vm0 =	vgt.f32 v2, $0.0e+00;
	v2 =	vimm.f32 $0.0e+00  }
.LBB2_8:
0xc8: {  	v3 =	vld [tilespmem:s4+$0x0];
	p0 =	sne.s32 s3, $0x3F0;
	vm0 =	vmand vm1, vm0;
	s5 =	smov.u32 s3;
	s3 =	sadd.s32 $0x10, s3  }
.Ltmp4:
0xc9: {  	v4 =	vsel vm0, $0x3F800000, v0;
	(pc) =	sbr.rel @p0 .LBB2_8-.Ltmp4, $3  }
0xca: {  	v2 =	vadd.f32 v4, v2;
	_ =	sdelay $0x1  }
0xcb: {  	v4 =	vmov s5  }
0xcc: {  	s4 =	sadd.s32 $0x10, s4;
	vm1 =	vlt.u32 v4, v1;
	vm0 =	vgt.f32 v3, $0.0e+00  }
0xcd: {  	vm0 =	vmand vm1, vm0  }
0xce: {  	v0 =	vsel vm0, $0x3F800000, v0  }
0xcf: {  	v0 =	vadd.f32 v0, v2;
	_ =	sdelay $0x1  }
0xd0: {  	(xrf2) =	vadd.scan.msk.f32 $0xffff, v0;
	_ =	sdelay $0x4  }
0xd1: {  	s3 =	simm.s32 $0x0  }
0xd2: {  	v0 =	vld [tilespmem:s3+$0x0];
	_ =	sdelay $0x3  }
0xd3: {  	v1, _, _ =	vpop (xrf2)  }
0xd4: {  	vm14 =	vgt.s32 v0, $0x0;
	v1 =	vbroadcast v1, $0xF  }
0xd5: {  	v2 =	vnsel vm14, $0x0, v0  }
0xd6: {  	(erf) = vrcp.f32 v1;
	_ =	sdelay $0x2  }
0xd7: {  	s4 =	simm.s32 $0x400  }
0xd8: {  	v2 =	vld.idx.msk [tilespmem:v2+s4+$0x0], $0xffff;
	_ =	sdelay $0x4  }
0xd9: {  	vm15 =	vgt.f32 v1, $0.0e+00;
	v1 =	vpop (erf);
	(erf) = vrcp.f32 v2;
	_ =	sdelay $0x1  }
0xda: {  	s5 =	simm.s32 $0x10;
	s6 =	simm.s32 $0x80;
	v1 =	vnsel vm15, $0x0, v1  }
.LBB2_10:
0xdb: {  	p0 =	sne.s32 s6, $0xFC0;
	v2 =	vld [tilespmem:s5+$0x0];
	_ =	sdelay $0x4  }
0xdc: {  	vm0 =	vgt.s32 v2, $0x0  }
0xdd: {  	v3 =	vnsel vm0, $0x0, v2;
	v4 =	vpop (erf)  }
0xde: {  	v4 =	vmul.f32 v4, v1  }
0xdf: {  	vm0 =	vgt.s32 v0, $0xFFFFFFFF;
	v0 =	vmov v2  }
0xe0: {  	v2 =	vnsel vm0, $0x0, v4  }
0xe1: {  	[tilespmem:s3+$0x800] =	vst v2;
	s3 =	smov.u32 s5  }
0xe2: {  	v2 =	vld.idx.msk [tilespmem:v3+s4+$0x0], $0xffff;
	_ =	sdelay $0x3  }
.Ltmp5:
0xe3: {  	(pc) =	sbr.rel @p0 .LBB2_10-.Ltmp5, $3  }
0xe4: {  	_ = 	snop  }
0xe5: {  	(erf) = vrcp.f32 v2;
	_ =	sdelay $0x1  }
0xe6: {  	s5 =	sshra.s32 s6, $0x2;
	s6 =	sadd.s32 $0x40, s6  }
0xe7: {  	v2 =	vld [tilespmem:s5+$0x0];
	_ =	sdelay $0x4  }
0xe8: {  	vm0 =	vgt.s32 v2, $0x0  }
0xe9: {  	v3 =	vnsel vm0, $0x0, v2;
	v4 =	vpop (erf)  }
0xea: {  	v4 =	vmul.f32 v4, v1  }
0xeb: {  	vm14 =	vgt.s32 v0, $0xFFFFFFFF  }
0xec: {  	v0 =	vnsel vm14, $0x0, v4  }
0xed: {  	[tilespmem:s3+$0x800] =	vst v0  }
0xee: {  	v0 =	vld.idx.msk [tilespmem:v3+s4+$0x0], $0xffff;
	_ =	sdelay $0x4  }
0xef: {  	(erf) = vrcp.f32 v0;
	_ =	sdelay $0x8  }
0xf0: {  	v0 =	vpop (erf)  }
0xf1: {  	v0 =	vmul.f32 v0, v1  }
0xf2: {  	vm15 =	vgt.s32 v2, $0xFFFFFFFF  }
0xf3: {  	v0 =	vnsel vm15, $0x0, v0  }
0xf4: {  	s29 =	simm.s32 $0x0;
	s30 =	simm.s32 $0x800;
	s31 =	simm.s32 $0x1;
	[tilespmem:s5+$0x800] =	vst v0  }
0xf5: {  	[hbm4b:s2+s29] =	stream.linear.scatter [tilespmem:s30], [sflag:$0x1], $0x400, $0x38;
	[tilespmem:$0x18C0] =	vst v63  }
0xf6: {  	_ =	swait.ge [sflag:s31], $0x400  }
0xf7: {  	[sflag:s31] =	ssyncset.done $0x0  }
0xf8: {  	[sflag:s31] =	ssyncadd.s32 $0xFFFFFC00  }
.LBB2_12:
0xf9: {  	_ =	sfence.sel $0x180000  }
0xfa: {  	[bflag:$0x0] =	sbarrier.arrive $0xFFFF  }
0xfb: {  	p0 =	sne.s32 s1, $0x0;
	_ =	strace $0x90000047  }
0xfc: {  	s0 =	sadd.s32 @!p0 $0x100000, s0;
	[bflag:$0x2] =	sbarrier.arrive $0xFFFF  }
0xfd: {  	[sflag:s0] =	ssyncadd.tile.s32 @!p0 $0x1;
	_ =	shalt  }
.Lfunc_end2:
_tile_overlayer_lowered:
.L_overlay_start_2:
0xfe: {  	(tag) =	ssettag $0x2  }
0xff: {  	s0 =	rddreg [dreg:$0x0];
	s2 =	stileid.u32  }
0x100: {  	s1 =	rddreg [dreg:$0x1];
	p0 =	sne.s32 s2, $0x0  }
0x101: {  	s3 =	rddreg [dreg:$0x2];
	[bflag:$0x3] =	sbarrier.arrive $0xFFFF;
	s2 =	simm.s32 @!p0 $0x1C01  }
0x102: {  	[timem:s3], [sflag:s2] =	dma.local @!p0 [hbm:s0], s1  }
0x103: {  	s0 =	simm.s32 @!p0 $0x1  }
0x104: {  	_ =	swait.ge @!p0 [sflag:s0], s1  }
0x105: {  	s1 =	ssub.s32 @!p0 $0x0, s1;
	[sflag:s0] =	ssyncset.done @!p0 $0x0  }
0x106: {  	[sflag:s0] =	ssyncadd.s32 @!p0 s1  }
0x107: {  	[bflag:$0x3] =	sbarrier.arrive $0xFFFF  }
0x108: {  	_ =	shalt  }

</sc_bundles>
